<compile_context>
chip_gen: v7x
topology: tpu7x:2x2x1
jax: 0.10.2.dev20260603
libtpu: 0.0.44.dev20260713+nightly
codegen_flags: <defaults>
</compile_context>

<pallas_src>
import functools

import jax
import jax.numpy as jnp
from jax import lax
from jax.experimental import pallas as pl
from jax.experimental.pallas import tpu as pltpu
from jax.experimental.pallas import tpu_sc as plsc

N_NODES = 10000
N_EDGES = 320000
C_IN = 128
C_OUT = 128

D = 160
K = 128
NW = 32
CPT = 79
E_PAD = NW * CPT * K
N_PAD = 10240
RPT = N_PAD // 16
TRASH = N_NODES



def _proj_body(x_ref, w_ref, a_ref, bm_ref):
    x = x_ref[...]
    w = w_ref[...]
    w1 = w[:, :C_IN]
    w2 = w[:, C_IN:]
    dn = (((0,), (1,)), ((), ()))
    a_ref[...] = lax.dot_general(x, w1 - w2, dn, preferred_element_type=jnp.float32)
    bm = lax.dot_general(x, w2, dn, preferred_element_type=jnp.float32)
    bn = bm.shape[0]
    ones = jnp.ones((bn, 1), jnp.float32)
    zeros = jnp.zeros((bn, D - C_OUT - 1), jnp.float32)
    bm_ref[...] = jnp.concatenate([bm, ones, zeros], axis=1).astype(jnp.bfloat16)


_BN1 = 2048

_proj = pl.pallas_call(
    _proj_body,
    grid=(N_PAD // _BN1,),
    in_specs=[
        pl.BlockSpec((C_IN, _BN1), lambda i: (0, i)),
        pl.BlockSpec((C_OUT, 2 * C_IN), lambda i: (0, 0)),
    ],
    out_specs=[
        pl.BlockSpec((_BN1, C_OUT), lambda i: (i, 0)),
        pl.BlockSpec((_BN1, D), lambda i: (i, 0)),
    ],
    out_shape=[
        jax.ShapeDtypeStruct((N_PAD, C_OUT), jnp.float32),
        jax.ShapeDtypeStruct((N_PAD, D), jnp.bfloat16),
    ],
)



def _sc_body(table, g_hbm, r_hbm, z_hbm, out, g_v, r_v, rows_v, acc, sem_g, sem_s):
    cid = lax.axis_index("c")
    sid = lax.axis_index("s")
    row0 = sid * RPT
    pltpu.sync_copy(z_hbm, acc.at[pl.ds(row0, RPT)])
    wid = sid * 2 + cid
    pltpu.sync_copy(g_hbm.at[wid], g_v)
    pltpu.sync_copy(r_hbm.at[wid], r_v)
    plsc.subcore_barrier()

    def issue_g(j, p):
        pltpu.async_copy(table.at[g_v.at[j]], rows_v.at[p], sem_g)

    def wait_g(j, p):
        pltpu.make_async_copy(table.at[g_v.at[j]], rows_v.at[p], sem_g).wait()

    def issue_s(j, p):
        pltpu.async_copy(rows_v.at[p], acc.at[r_v.at[j]], sem_s, add=True)

    def wait_s(j, p):
        pltpu.make_async_copy(rows_v.at[p], acc.at[r_v.at[j]], sem_s).wait()

    issue_g(0, 0)
    issue_g(1, 1)
    issue_g(2, 2)
    for j in range(2):
        wait_g(j, j % 5)
        issue_s(j, j % 5)
        issue_g(j + 3, (j + 3) % 5)

    def body(j, carry):
        p = lax.rem(j, 5)
        wait_s(j - 2, lax.rem(j + 3, 5))
        wait_g(j, p)
        issue_s(j, p)
        issue_g(j + 3, lax.rem(j + 3, 5))
        return carry

    lax.fori_loop(2, CPT - 3, body, 0)
    for j in range(CPT - 3, CPT):
        wait_s(j - 2, (j + 3) % 5)
        wait_g(j, j % 5)
        issue_s(j, j % 5)
    for j in range(CPT - 2, CPT):
        wait_s(j, j % 5)
    plsc.subcore_barrier()
    pltpu.sync_copy(acc.at[pl.ds(row0, RPT)], out.at[cid, pl.ds(row0, RPT)])


@functools.cache
def _sc_scatter():
    return pl.kernel(
        _sc_body,
        mesh=plsc.VectorSubcoreMesh(core_axis_name="c", subcore_axis_name="s"),
        compiler_params=pltpu.CompilerParams(use_tc_tiling_on_sc=False),
        out_type=jax.ShapeDtypeStruct((2, N_PAD, D), jnp.bfloat16),
        scratch_types=[
            pltpu.VMEM((CPT, K), jnp.int32),
            pltpu.VMEM((CPT, K), jnp.int32),
            pltpu.VMEM((5, K, D), jnp.bfloat16),
            pltpu.VMEM_SHARED((N_PAD, D), jnp.bfloat16),
            pltpu.SemaphoreType.DMA,
            pltpu.SemaphoreType.DMA,
        ],
    )



def _comb_body(a_ref, s_ref, b_ref, o_ref):
    s = s_ref[0].astype(jnp.float32) + s_ref[1].astype(jnp.float32)
    sums = s[:, :C_OUT]
    cnt = s[:, C_OUT:C_OUT + 1]
    val = a_ref[...] + b_ref[...] + sums / jnp.maximum(cnt, 1.0)
    val = jnp.where(cnt > 0, val, 0.0)
    o_ref[...] = jnp.where(val > 0, val, 0.3 * val)


_BN3 = 2048

_comb = pl.pallas_call(
    _comb_body,
    grid=(N_PAD // _BN3,),
    in_specs=[
        pl.BlockSpec((_BN3, C_OUT), lambda i: (i, 0)),
        pl.BlockSpec((2, _BN3, D), lambda i: (0, i, 0)),
        pl.BlockSpec((1, C_OUT), lambda i: (0, 0)),
    ],
    out_specs=pl.BlockSpec((_BN3, C_OUT), lambda i: (i, 0)),
    out_shape=jax.ShapeDtypeStruct((N_PAD, C_OUT), jnp.float32),
)


def kernel(in_features, reduce_index, gather_index, W, b):
    x = in_features[0]
    x_pad = jnp.pad(x, ((0, 0), (0, N_PAD - N_NODES)))
    pad = TRASH + jnp.arange(E_PAD - N_EDGES, dtype=jnp.int32) % (N_PAD - N_NODES)
    g_idx = jnp.concatenate([gather_index, pad]).reshape(NW, CPT, K)
    r_idx = jnp.concatenate([reduce_index, pad]).reshape(NW, CPT, K)
    zeros = jnp.zeros((RPT, D), jnp.bfloat16)

    a_t, table = _proj(x_pad, W)
    partials = _sc_scatter()(table, g_idx, r_idx, zeros)
    out_t = _comb(a_t, partials, b.reshape(1, C_OUT))
    return jnp.transpose(out_t[:N_NODES])[None]

# --- scband reference (transcript-rebuilt; emitter-appended) ---
"""Pipeline reference for scband-edge-conv-13692355739964 (READ-ONLY COPY).

The authoritative reference and input builder live on the scoring server;
editing this copy changes nothing except your own understanding.
"""

import jax, jax.numpy as jnp
import numpy as np

N_NODES = 10000
N_EDGES = 320000
IN_CH = 128
OUT_CH = 128
BATCH = 1


def setup_inputs(seed: int = 0) -> dict:
    key = jax.random.key(seed)
    k1, k2, k3, k4, k5 = jax.random.split(key, 5)
    in_features = jax.random.normal(k1, (BATCH, IN_CH, N_NODES), dtype=jnp.float32)
    reduce_index = jax.random.randint(k2, (N_EDGES,), 0, N_NODES, dtype=jnp.int32)
    gather_index = jax.random.randint(k3, (N_EDGES,), 0, N_NODES, dtype=jnp.int32)
    W = jax.random.normal(k4, (OUT_CH, 2 * IN_CH), dtype=jnp.float32) * 0.05
    b = jax.random.normal(k5, (OUT_CH,), dtype=jnp.float32) * 0.05
    return {"in_features": in_features, "reduce_index": reduce_index, "gather_index": gather_index, "W": W, "b": b}


def reference(in_features, reduce_index, gather_index, W, b):
    # gather endpoint features per edge
    vertices = jnp.take(in_features, reduce_index, axis=-1)      # [B, C, E]
    neighbors = jnp.take(in_features, gather_index, axis=-1)     # [B, C, E]
    concat = jnp.concatenate([vertices, neighbors - vertices], axis=-2)  # [B, 2C, E]
    # Conv1d with kernel size 1 == pointwise linear over channel dim
    F_e = jnp.einsum('oc,bce->boe', W, concat) + b[None, :, None]  # [B, O, E]
    # index_reduce_(-1, reduce_index, F_e, reduce='mean', include_self=False)
    F_e_t = jnp.moveaxis(F_e, -1, 0)  # [E, B, O]
    sums = jax.ops.segment_sum(F_e_t, reduce_index, num_segments=N_NODES)  # [N, B, O]
    counts = jax.ops.segment_sum(jnp.ones((N_EDGES,), jnp.float32), reduce_index, num_segments=N_NODES)  # [N]
    mean = jnp.where(counts[:, None, None] > 0, sums / jnp.maximum(counts, 1.0)[:, None, None], 0.0)
    out = jnp.moveaxis(mean, 0, -1)  # [B, O, N]
    # LeakyReLU(0.3)
    return jnp.where(out > 0, out, 0.3 * out)

if __name__ == "__main__":
    import jax
    _d = setup_inputs()
    print(jax.jit(kernel)(*tuple(_d.values())))

</pallas_src>

<mosaic_0001>
#map = affine_map<(d0, d1) -> (0, 0)>
#map1 = affine_map<(d0, d1) -> (0, 0, 0)>
module attributes {stable_mosaic.version = 14 : i64} {
  func.func @_sc_body(%arg0: i32, %arg1: i32, %arg2: memref<10240x160xbf16, #tpu.memory_space<hbm>>, %arg3: memref<32x79x128xi32, #tpu.memory_space<hbm>>, %arg4: memref<32x79x128xi32, #tpu.memory_space<hbm>>, %arg5: memref<640x160xbf16, #tpu.memory_space<hbm>>, %arg6: memref<2x10240x160xbf16, #tpu.memory_space<hbm>>, %arg7: memref<79x128xi32, #tpu.memory_space<vmem>>, %arg8: memref<79x128xi32, #tpu.memory_space<vmem>>, %arg9: memref<5x128x160xbf16, #tpu.memory_space<vmem>>, %arg10: memref<10240x160xbf16, #tpu.memory_space<vmem_shared>>, %arg11: memref<!tpu.dma_semaphore, #tpu.memory_space<semaphore_mem>>, %arg12: memref<!tpu.dma_semaphore, #tpu.memory_space<semaphore_mem>>) attributes {dimension_semantics = [#tpu.dimension_semantics<core_parallel>, #tpu.dimension_semantics<subcore_parallel>], iteration_bounds = array<i64: 2, 16>, scalar_prefetch = 0 : i64, scratch_operands = 6 : i64, tpu.core_type = #tpu.core_type<sc_vector_subcore>, window_params = [{transform_indices = #map}, {transform_indices = #map1}, {transform_indices = #map1}, {transform_indices = #map}, {transform_indices = #map1}]} {
    %mul3A = arith.constant 640 : i32
    %mul3A_0 = arith.muli %arg1, %mul3A : i32
    "tpu.region"() ({
      %run_scoped3A = tpu.sem_alloc : memref<!tpu.dma_semaphore, #tpu.memory_space<semaphore_mem>>
      %dma_start3A_247 = arith.constant 0 : i32
      %dma_start3A_248 = tpu.memref_slice %arg10[%mul3A_0, %dma_start3A_247] : memref<10240x160xbf16, #tpu.memory_space<vmem_shared>> -> memref<640x160xbf16, #tpu.memory_space<vmem_shared>>
      tpu.enqueue_dma source(%arg5 : memref<640x160xbf16, #tpu.memory_space<hbm>>) target(%dma_start3A_248 : memref<640x160xbf16, #tpu.memory_space<vmem_shared>>) target_semaphore(%run_scoped3A : memref<!tpu.dma_semaphore, #tpu.memory_space<semaphore_mem>>)
      %dma_wait3A_249 = arith.constant 0 : i32
      %dma_wait3A_250 = tpu.memref_slice %arg10[%mul3A_0, %dma_wait3A_249] : memref<10240x160xbf16, #tpu.memory_space<vmem_shared>> -> memref<640x160xbf16, #tpu.memory_space<vmem_shared>>
      tpu.wait_dma2 semaphore(%run_scoped3A : memref<!tpu.dma_semaphore, #tpu.memory_space<semaphore_mem>>) src(%arg5 : memref<640x160xbf16, #tpu.memory_space<hbm>>) dst(%dma_wait3A_250 : memref<640x160xbf16, #tpu.memory_space<vmem_shared>>)
      tpu.yield
    }) : () -> ()
    %mul3A_1 = arith.constant 2 : i32
    %mul3A_2 = arith.muli %arg1, %mul3A_1 : i32
    %add3A = arith.addi %mul3A_2, %arg0 : i32
    "tpu.region"() ({
      %run_scoped3A = tpu.sem_alloc : memref<!tpu.dma_semaphore, #tpu.memory_space<semaphore_mem>>
      %dma_start3A_247 = arith.constant 0 : i32
      %dma_start3A_248 = arith.constant 0 : i32
      %dma_start3A_249 = tpu.memref_slice %arg3[%add3A, %dma_start3A_247, %dma_start3A_248] : memref<32x79x128xi32, #tpu.memory_space<hbm>> -> memref<1x79x128xi32, #tpu.memory_space<hbm>>
      %dma_start3A_250 = tpu.memref_squeeze %dma_start3A_249 : memref<1x79x128xi32, #tpu.memory_space<hbm>> -> memref<79x128xi32, #tpu.memory_space<hbm>>
      %dma_start3A_251 = arith.constant 0 : i32
      %dma_start3A_252 = arith.constant 0 : i32
      %dma_start3A_253 = tpu.memref_slice %arg3[%add3A, %dma_start3A_251, %dma_start3A_252] : memref<32x79x128xi32, #tpu.memory_space<hbm>> -> memref<1x79x128xi32, #tpu.memory_space<hbm>>
      %dma_start3A_254 = tpu.memref_squeeze %dma_start3A_253 : memref<1x79x128xi32, #tpu.memory_space<hbm>> -> memref<79x128xi32, #tpu.memory_space<hbm>>
      tpu.enqueue_dma source(%dma_start3A_254 : memref<79x128xi32, #tpu.memory_space<hbm>>) target(%arg7 : memref<79x128xi32, #tpu.memory_space<vmem>>) target_semaphore(%run_scoped3A : memref<!tpu.dma_semaphore, #tpu.memory_space<semaphore_mem>>)
      %dma_wait3A_255 = arith.constant 0 : i32
      %dma_wait3A_256 = arith.constant 0 : i32
      %dma_wait3A_257 = tpu.memref_slice %arg3[%add3A, %dma_wait3A_255, %dma_wait3A_256] : memref<32x79x128xi32, #tpu.memory_space<hbm>> -> memref<1x79x128xi32, #tpu.memory_space<hbm>>
      %dma_wait3A_258 = tpu.memref_squeeze %dma_wait3A_257 : memref<1x79x128xi32, #tpu.memory_space<hbm>> -> memref<79x128xi32, #tpu.memory_space<hbm>>
      %dma_wait3A_259 = arith.constant 0 : i32
      %dma_wait3A_260 = arith.constant 0 : i32
      %dma_wait3A_261 = tpu.memref_slice %arg3[%add3A, %dma_wait3A_259, %dma_wait3A_260] : memref<32x79x128xi32, #tpu.memory_space<hbm>> -> memref<1x79x128xi32, #tpu.memory_space<hbm>>
      %dma_wait3A_262 = tpu.memref_squeeze %dma_wait3A_261 : memref<1x79x128xi32, #tpu.memory_space<hbm>> -> memref<79x128xi32, #tpu.memory_space<hbm>>
      tpu.wait_dma2 semaphore(%run_scoped3A : memref<!tpu.dma_semaphore, #tpu.memory_space<semaphore_mem>>) src(%dma_wait3A_262 : memref<79x128xi32, #tpu.memory_space<hbm>>) dst(%arg7 : memref<79x128xi32, #tpu.memory_space<vmem>>)
      tpu.yield
    }) : () -> ()
    "tpu.region"() ({
      %run_scoped3A = tpu.sem_alloc : memref<!tpu.dma_semaphore, #tpu.memory_space<semaphore_mem>>
      %dma_start3A_247 = arith.constant 0 : i32
      %dma_start3A_248 = arith.constant 0 : i32
      %dma_start3A_249 = tpu.memref_slice %arg4[%add3A, %dma_start3A_247, %dma_start3A_248] : memref<32x79x128xi32, #tpu.memory_space<hbm>> -> memref<1x79x128xi32, #tpu.memory_space<hbm>>
      %dma_start3A_250 = tpu.memref_squeeze %dma_start3A_249 : memref<1x79x128xi32, #tpu.memory_space<hbm>> -> memref<79x128xi32, #tpu.memory_space<hbm>>
      %dma_start3A_251 = arith.constant 0 : i32
      %dma_start3A_252 = arith.constant 0 : i32
      %dma_start3A_253 = tpu.memref_slice %arg4[%add3A, %dma_start3A_251, %dma_start3A_252] : memref<32x79x128xi32, #tpu.memory_space<hbm>> -> memref<1x79x128xi32, #tpu.memory_space<hbm>>
      %dma_start3A_254 = tpu.memref_squeeze %dma_start3A_253 : memref<1x79x128xi32, #tpu.memory_space<hbm>> -> memref<79x128xi32, #tpu.memory_space<hbm>>
      tpu.enqueue_dma source(%dma_start3A_254 : memref<79x128xi32, #tpu.memory_space<hbm>>) target(%arg8 : memref<79x128xi32, #tpu.memory_space<vmem>>) target_semaphore(%run_scoped3A : memref<!tpu.dma_semaphore, #tpu.memory_space<semaphore_mem>>)
      %dma_wait3A_255 = arith.constant 0 : i32
      %dma_wait3A_256 = arith.constant 0 : i32
      %dma_wait3A_257 = tpu.memref_slice %arg4[%add3A, %dma_wait3A_255, %dma_wait3A_256] : memref<32x79x128xi32, #tpu.memory_space<hbm>> -> memref<1x79x128xi32, #tpu.memory_space<hbm>>
      %dma_wait3A_258 = tpu.memref_squeeze %dma_wait3A_257 : memref<1x79x128xi32, #tpu.memory_space<hbm>> -> memref<79x128xi32, #tpu.memory_space<hbm>>
      %dma_wait3A_259 = arith.constant 0 : i32
      %dma_wait3A_260 = arith.constant 0 : i32
      %dma_wait3A_261 = tpu.memref_slice %arg4[%add3A, %dma_wait3A_259, %dma_wait3A_260] : memref<32x79x128xi32, #tpu.memory_space<hbm>> -> memref<1x79x128xi32, #tpu.memory_space<hbm>>
      %dma_wait3A_262 = tpu.memref_squeeze %dma_wait3A_261 : memref<1x79x128xi32, #tpu.memory_space<hbm>> -> memref<79x128xi32, #tpu.memory_space<hbm>>
      tpu.wait_dma2 semaphore(%run_scoped3A : memref<!tpu.dma_semaphore, #tpu.memory_space<semaphore_mem>>) src(%dma_wait3A_262 : memref<79x128xi32, #tpu.memory_space<hbm>>) dst(%arg8 : memref<79x128xi32, #tpu.memory_space<vmem>>)
      tpu.yield
    }) : () -> ()
    %barrier3A = arith.constant 0 : index
    tpu.barrier barrier_id(%barrier3A)
    %dma_start3A = arith.constant 0 : i32
    %dma_start3A_3 = arith.constant 0 : i32
    %dma_start3A_4 = arith.constant 0 : i32
    %dma_start3A_5 = arith.constant 0 : i32
    %dma_start3A_6 = tpu.memref_slice %arg9[%dma_start3A_3, %dma_start3A_4, %dma_start3A_5] : memref<5x128x160xbf16, #tpu.memory_space<vmem>> -> memref<1x128x160xbf16, #tpu.memory_space<vmem>>
    %dma_start3A_7 = tpu.memref_squeeze %dma_start3A_6 : memref<1x128x160xbf16, #tpu.memory_space<vmem>> -> memref<128x160xbf16, #tpu.memory_space<vmem>>
    %dma_start3A_8 = arith.constant 0 : i32
    %dma_start3A_9 = tpu.memref_slice %arg7[%dma_start3A, %dma_start3A_8] : memref<79x128xi32, #tpu.memory_space<vmem>> -> memref<1x128xi32, #tpu.memory_space<vmem>>
    %dma_start3A_10 = tpu.memref_squeeze %dma_start3A_9 : memref<1x128xi32, #tpu.memory_space<vmem>> -> memref<128xi32, #tpu.memory_space<vmem>>
    %dma_start3A_11 = arith.constant 0 : i32
    %dma_start3A_12 = arith.constant 0 : i32
    %dma_start3A_13 = tpu.memref_slice %arg2[%dma_start3A_11, %dma_start3A_12] : memref<10240x160xbf16, #tpu.memory_space<hbm>> -> memref<10240x160xbf16, #tpu.memory_space<hbm>>
    tpu.enqueue_indirect_dma source(%dma_start3A_13 : memref<10240x160xbf16, #tpu.memory_space<hbm>>) target(%dma_start3A_7 : memref<128x160xbf16, #tpu.memory_space<vmem>>) offsets(%dma_start3A_10 : memref<128xi32, #tpu.memory_space<vmem>>) semaphore(%arg11 : memref<!tpu.dma_semaphore, #tpu.memory_space<semaphore_mem>>)
    %dma_start3A_14 = arith.constant 1 : i32
    %dma_start3A_15 = arith.constant 1 : i32
    %dma_start3A_16 = arith.constant 0 : i32
    %dma_start3A_17 = arith.constant 0 : i32
    %dma_start3A_18 = tpu.memref_slice %arg9[%dma_start3A_15, %dma_start3A_16, %dma_start3A_17] : memref<5x128x160xbf16, #tpu.memory_space<vmem>> -> memref<1x128x160xbf16, #tpu.memory_space<vmem>>
    %dma_start3A_19 = tpu.memref_squeeze %dma_start3A_18 : memref<1x128x160xbf16, #tpu.memory_space<vmem>> -> memref<128x160xbf16, #tpu.memory_space<vmem>>
    %dma_start3A_20 = arith.constant 0 : i32
    %dma_start3A_21 = tpu.memref_slice %arg7[%dma_start3A_14, %dma_start3A_20] : memref<79x128xi32, #tpu.memory_space<vmem>> -> memref<1x128xi32, #tpu.memory_space<vmem>>
    %dma_start3A_22 = tpu.memref_squeeze %dma_start3A_21 : memref<1x128xi32, #tpu.memory_space<vmem>> -> memref<128xi32, #tpu.memory_space<vmem>>
    %dma_start3A_23 = arith.constant 0 : i32
    %dma_start3A_24 = arith.constant 0 : i32
    %dma_start3A_25 = tpu.memref_slice %arg2[%dma_start3A_23, %dma_start3A_24] : memref<10240x160xbf16, #tpu.memory_space<hbm>> -> memref<10240x160xbf16, #tpu.memory_space<hbm>>
    tpu.enqueue_indirect_dma source(%dma_start3A_25 : memref<10240x160xbf16, #tpu.memory_space<hbm>>) target(%dma_start3A_19 : memref<128x160xbf16, #tpu.memory_space<vmem>>) offsets(%dma_start3A_22 : memref<128xi32, #tpu.memory_space<vmem>>) semaphore(%arg11 : memref<!tpu.dma_semaphore, #tpu.memory_space<semaphore_mem>>)
    %dma_start3A_26 = arith.constant 2 : i32
    %dma_start3A_27 = arith.constant 2 : i32
    %dma_start3A_28 = arith.constant 0 : i32
    %dma_start3A_29 = arith.constant 0 : i32
    %dma_start3A_30 = tpu.memref_slice %arg9[%dma_start3A_27, %dma_start3A_28, %dma_start3A_29] : memref<5x128x160xbf16, #tpu.memory_space<vmem>> -> memref<1x128x160xbf16, #tpu.memory_space<vmem>>
    %dma_start3A_31 = tpu.memref_squeeze %dma_start3A_30 : memref<1x128x160xbf16, #tpu.memory_space<vmem>> -> memref<128x160xbf16, #tpu.memory_space<vmem>>
    %dma_start3A_32 = arith.constant 0 : i32
    %dma_start3A_33 = tpu.memref_slice %arg7[%dma_start3A_26, %dma_start3A_32] : memref<79x128xi32, #tpu.memory_space<vmem>> -> memref<1x128xi32, #tpu.memory_space<vmem>>
    %dma_start3A_34 = tpu.memref_squeeze %dma_start3A_33 : memref<1x128xi32, #tpu.memory_space<vmem>> -> memref<128xi32, #tpu.memory_space<vmem>>
    %dma_start3A_35 = arith.constant 0 : i32
    %dma_start3A_36 = arith.constant 0 : i32
    %dma_start3A_37 = tpu.memref_slice %arg2[%dma_start3A_35, %dma_start3A_36] : memref<10240x160xbf16, #tpu.memory_space<hbm>> -> memref<10240x160xbf16, #tpu.memory_space<hbm>>
    tpu.enqueue_indirect_dma source(%dma_start3A_37 : memref<10240x160xbf16, #tpu.memory_space<hbm>>) target(%dma_start3A_31 : memref<128x160xbf16, #tpu.memory_space<vmem>>) offsets(%dma_start3A_34 : memref<128xi32, #tpu.memory_space<vmem>>) semaphore(%arg11 : memref<!tpu.dma_semaphore, #tpu.memory_space<semaphore_mem>>)
    %dma_wait3A = arith.constant 0 : i32
    %dma_wait3A_38 = arith.constant 0 : i32
    %dma_wait3A_39 = arith.constant 0 : i32
    %dma_wait3A_40 = arith.constant 0 : i32
    %dma_wait3A_41 = tpu.memref_slice %arg9[%dma_wait3A_38, %dma_wait3A_39, %dma_wait3A_40] : memref<5x128x160xbf16, #tpu.memory_space<vmem>> -> memref<1x128x160xbf16, #tpu.memory_space<vmem>>
    %dma_wait3A_42 = tpu.memref_squeeze %dma_wait3A_41 : memref<1x128x160xbf16, #tpu.memory_space<vmem>> -> memref<128x160xbf16, #tpu.memory_space<vmem>>
    %dma_wait3A_43 = arith.constant 0 : i32
    %dma_wait3A_44 = tpu.memref_slice %arg7[%dma_wait3A, %dma_wait3A_43] : memref<79x128xi32, #tpu.memory_space<vmem>> -> memref<1x128xi32, #tpu.memory_space<vmem>>
    %dma_wait3A_45 = tpu.memref_squeeze %dma_wait3A_44 : memref<1x128xi32, #tpu.memory_space<vmem>> -> memref<128xi32, #tpu.memory_space<vmem>>
    %dma_wait3A_46 = arith.constant 0 : i32
    %dma_wait3A_47 = arith.constant 0 : i32
    %dma_wait3A_48 = tpu.memref_slice %arg2[%dma_wait3A_46, %dma_wait3A_47] : memref<10240x160xbf16, #tpu.memory_space<hbm>> -> memref<10240x160xbf16, #tpu.memory_space<hbm>>
    tpu.wait_indirect_dma semaphore(%arg11 : memref<!tpu.dma_semaphore, #tpu.memory_space<semaphore_mem>>) src(%dma_wait3A_48 : memref<10240x160xbf16, #tpu.memory_space<hbm>>) dst(%dma_wait3A_42 : memref<128x160xbf16, #tpu.memory_space<vmem>>)
    %dma_start3A_49 = arith.constant 0 : i32
    %dma_start3A_50 = arith.constant 0 : i32
    %dma_start3A_51 = arith.constant 0 : i32
    %dma_start3A_52 = arith.constant 0 : i32
    %dma_start3A_53 = tpu.memref_slice %arg9[%dma_start3A_49, %dma_start3A_51, %dma_start3A_52] : memref<5x128x160xbf16, #tpu.memory_space<vmem>> -> memref<1x128x160xbf16, #tpu.memory_space<vmem>>
    %dma_start3A_54 = tpu.memref_squeeze %dma_start3A_53 : memref<1x128x160xbf16, #tpu.memory_space<vmem>> -> memref<128x160xbf16, #tpu.memory_space<vmem>>
    %dma_start3A_55 = arith.constant 0 : i32
    %dma_start3A_56 = tpu.memref_slice %arg8[%dma_start3A_50, %dma_start3A_55] : memref<79x128xi32, #tpu.memory_space<vmem>> -> memref<1x128xi32, #tpu.memory_space<vmem>>
    %dma_start3A_57 = tpu.memref_squeeze %dma_start3A_56 : memref<1x128xi32, #tpu.memory_space<vmem>> -> memref<128xi32, #tpu.memory_space<vmem>>
    %dma_start3A_58 = arith.constant 0 : i32
    %dma_start3A_59 = arith.constant 0 : i32
    %dma_start3A_60 = tpu.memref_slice %arg10[%dma_start3A_58, %dma_start3A_59] : memref<10240x160xbf16, #tpu.memory_space<vmem_shared>> -> memref<10240x160xbf16, #tpu.memory_space<vmem_shared>>
    tpu.enqueue_indirect_dma source(%dma_start3A_54 : memref<128x160xbf16, #tpu.memory_space<vmem>>) target(%dma_start3A_60 : memref<10240x160xbf16, #tpu.memory_space<vmem_shared>>) offsets(%dma_start3A_57 : memref<128xi32, #tpu.memory_space<vmem>>) semaphore(%arg12 : memref<!tpu.dma_semaphore, #tpu.memory_space<semaphore_mem>>) {add = true}
    %dma_start3A_61 = arith.constant 3 : i32
    %dma_start3A_62 = arith.constant 3 : i32
    %dma_start3A_63 = arith.constant 0 : i32
    %dma_start3A_64 = arith.constant 0 : i32
    %dma_start3A_65 = tpu.memref_slice %arg9[%dma_start3A_62, %dma_start3A_63, %dma_start3A_64] : memref<5x128x160xbf16, #tpu.memory_space<vmem>> -> memref<1x128x160xbf16, #tpu.memory_space<vmem>>
    %dma_start3A_66 = tpu.memref_squeeze %dma_start3A_65 : memref<1x128x160xbf16, #tpu.memory_space<vmem>> -> memref<128x160xbf16, #tpu.memory_space<vmem>>
    %dma_start3A_67 = arith.constant 0 : i32
    %dma_start3A_68 = tpu.memref_slice %arg7[%dma_start3A_61, %dma_start3A_67] : memref<79x128xi32, #tpu.memory_space<vmem>> -> memref<1x128xi32, #tpu.memory_space<vmem>>
    %dma_start3A_69 = tpu.memref_squeeze %dma_start3A_68 : memref<1x128xi32, #tpu.memory_space<vmem>> -> memref<128xi32, #tpu.memory_space<vmem>>
    %dma_start3A_70 = arith.constant 0 : i32
    %dma_start3A_71 = arith.constant 0 : i32
    %dma_start3A_72 = tpu.memref_slice %arg2[%dma_start3A_70, %dma_start3A_71] : memref<10240x160xbf16, #tpu.memory_space<hbm>> -> memref<10240x160xbf16, #tpu.memory_space<hbm>>
    tpu.enqueue_indirect_dma source(%dma_start3A_72 : memref<10240x160xbf16, #tpu.memory_space<hbm>>) target(%dma_start3A_66 : memref<128x160xbf16, #tpu.memory_space<vmem>>) offsets(%dma_start3A_69 : memref<128xi32, #tpu.memory_space<vmem>>) semaphore(%arg11 : memref<!tpu.dma_semaphore, #tpu.memory_space<semaphore_mem>>)
    %dma_wait3A_73 = arith.constant 1 : i32
    %dma_wait3A_74 = arith.constant 1 : i32
    %dma_wait3A_75 = arith.constant 0 : i32
    %dma_wait3A_76 = arith.constant 0 : i32
    %dma_wait3A_77 = tpu.memref_slice %arg9[%dma_wait3A_74, %dma_wait3A_75, %dma_wait3A_76] : memref<5x128x160xbf16, #tpu.memory_space<vmem>> -> memref<1x128x160xbf16, #tpu.memory_space<vmem>>
    %dma_wait3A_78 = tpu.memref_squeeze %dma_wait3A_77 : memref<1x128x160xbf16, #tpu.memory_space<vmem>> -> memref<128x160xbf16, #tpu.memory_space<vmem>>
    %dma_wait3A_79 = arith.constant 0 : i32
    %dma_wait3A_80 = tpu.memref_slice %arg7[%dma_wait3A_73, %dma_wait3A_79] : memref<79x128xi32, #tpu.memory_space<vmem>> -> memref<1x128xi32, #tpu.memory_space<vmem>>
    %dma_wait3A_81 = tpu.memref_squeeze %dma_wait3A_80 : memref<1x128xi32, #tpu.memory_space<vmem>> -> memref<128xi32, #tpu.memory_space<vmem>>
    %dma_wait3A_82 = arith.constant 0 : i32
    %dma_wait3A_83 = arith.constant 0 : i32
    %dma_wait3A_84 = tpu.memref_slice %arg2[%dma_wait3A_82, %dma_wait3A_83] : memref<10240x160xbf16, #tpu.memory_space<hbm>> -> memref<10240x160xbf16, #tpu.memory_space<hbm>>
    tpu.wait_indirect_dma semaphore(%arg11 : memref<!tpu.dma_semaphore, #tpu.memory_space<semaphore_mem>>) src(%dma_wait3A_84 : memref<10240x160xbf16, #tpu.memory_space<hbm>>) dst(%dma_wait3A_78 : memref<128x160xbf16, #tpu.memory_space<vmem>>)
    %dma_start3A_85 = arith.constant 1 : i32
    %dma_start3A_86 = arith.constant 1 : i32
    %dma_start3A_87 = arith.constant 0 : i32
    %dma_start3A_88 = arith.constant 0 : i32
    %dma_start3A_89 = tpu.memref_slice %arg9[%dma_start3A_85, %dma_start3A_87, %dma_start3A_88] : memref<5x128x160xbf16, #tpu.memory_space<vmem>> -> memref<1x128x160xbf16, #tpu.memory_space<vmem>>
    %dma_start3A_90 = tpu.memref_squeeze %dma_start3A_89 : memref<1x128x160xbf16, #tpu.memory_space<vmem>> -> memref<128x160xbf16, #tpu.memory_space<vmem>>
    %dma_start3A_91 = arith.constant 0 : i32
    %dma_start3A_92 = tpu.memref_slice %arg8[%dma_start3A_86, %dma_start3A_91] : memref<79x128xi32, #tpu.memory_space<vmem>> -> memref<1x128xi32, #tpu.memory_space<vmem>>
    %dma_start3A_93 = tpu.memref_squeeze %dma_start3A_92 : memref<1x128xi32, #tpu.memory_space<vmem>> -> memref<128xi32, #tpu.memory_space<vmem>>
    %dma_start3A_94 = arith.constant 0 : i32
    %dma_start3A_95 = arith.constant 0 : i32
    %dma_start3A_96 = tpu.memref_slice %arg10[%dma_start3A_94, %dma_start3A_95] : memref<10240x160xbf16, #tpu.memory_space<vmem_shared>> -> memref<10240x160xbf16, #tpu.memory_space<vmem_shared>>
    tpu.enqueue_indirect_dma source(%dma_start3A_90 : memref<128x160xbf16, #tpu.memory_space<vmem>>) target(%dma_start3A_96 : memref<10240x160xbf16, #tpu.memory_space<vmem_shared>>) offsets(%dma_start3A_93 : memref<128xi32, #tpu.memory_space<vmem>>) semaphore(%arg12 : memref<!tpu.dma_semaphore, #tpu.memory_space<semaphore_mem>>) {add = true}
    %dma_start3A_97 = arith.constant 4 : i32
    %dma_start3A_98 = arith.constant 4 : i32
    %dma_start3A_99 = arith.constant 0 : i32
    %dma_start3A_100 = arith.constant 0 : i32
    %dma_start3A_101 = tpu.memref_slice %arg9[%dma_start3A_98, %dma_start3A_99, %dma_start3A_100] : memref<5x128x160xbf16, #tpu.memory_space<vmem>> -> memref<1x128x160xbf16, #tpu.memory_space<vmem>>
    %dma_start3A_102 = tpu.memref_squeeze %dma_start3A_101 : memref<1x128x160xbf16, #tpu.memory_space<vmem>> -> memref<128x160xbf16, #tpu.memory_space<vmem>>
    %dma_start3A_103 = arith.constant 0 : i32
    %dma_start3A_104 = tpu.memref_slice %arg7[%dma_start3A_97, %dma_start3A_103] : memref<79x128xi32, #tpu.memory_space<vmem>> -> memref<1x128xi32, #tpu.memory_space<vmem>>
    %dma_start3A_105 = tpu.memref_squeeze %dma_start3A_104 : memref<1x128xi32, #tpu.memory_space<vmem>> -> memref<128xi32, #tpu.memory_space<vmem>>
    %dma_start3A_106 = arith.constant 0 : i32
    %dma_start3A_107 = arith.constant 0 : i32
    %dma_start3A_108 = tpu.memref_slice %arg2[%dma_start3A_106, %dma_start3A_107] : memref<10240x160xbf16, #tpu.memory_space<hbm>> -> memref<10240x160xbf16, #tpu.memory_space<hbm>>
    tpu.enqueue_indirect_dma source(%dma_start3A_108 : memref<10240x160xbf16, #tpu.memory_space<hbm>>) target(%dma_start3A_102 : memref<128x160xbf16, #tpu.memory_space<vmem>>) offsets(%dma_start3A_105 : memref<128xi32, #tpu.memory_space<vmem>>) semaphore(%arg11 : memref<!tpu.dma_semaphore, #tpu.memory_space<semaphore_mem>>)
    %scan3A = arith.constant 0 : i32
    %scan3A_109 = arith.constant 2 : i32
    %scan3A_110 = arith.constant 74 : i32
    %scan3A_111 = arith.addi %scan3A_109, %scan3A_110 : i32
    %scan3A_112 = arith.constant 1 : i32
    scf.for %scan3A_247 = %scan3A_109 to %scan3A_111 step %scan3A_112  : i32 {
      %rem3A = arith.constant 5 : i32
      %rem3A_248 = arith.remsi %scan3A_247, %rem3A : i32
      %sub3A = arith.constant 2 : i32
      %sub3A_249 = arith.subi %scan3A_247, %sub3A : i32
      %add3A_250 = arith.constant 3 : i32
      %add3A_251 = arith.addi %scan3A_247, %add3A_250 : i32
      %rem3A_252 = arith.constant 5 : i32
      %rem3A_253 = arith.remsi %add3A_251, %rem3A_252 : i32
      %dma_wait3A_254 = arith.constant 0 : i32
      %dma_wait3A_255 = arith.constant 0 : i32
      %dma_wait3A_256 = tpu.memref_slice %arg9[%rem3A_253, %dma_wait3A_254, %dma_wait3A_255] : memref<5x128x160xbf16, #tpu.memory_space<vmem>> -> memref<1x128x160xbf16, #tpu.memory_space<vmem>>
      %dma_wait3A_257 = tpu.memref_squeeze %dma_wait3A_256 : memref<1x128x160xbf16, #tpu.memory_space<vmem>> -> memref<128x160xbf16, #tpu.memory_space<vmem>>
      %dma_wait3A_258 = arith.constant 0 : i32
      %dma_wait3A_259 = tpu.memref_slice %arg8[%sub3A_249, %dma_wait3A_258] : memref<79x128xi32, #tpu.memory_space<vmem>> -> memref<1x128xi32, #tpu.memory_space<vmem>>
      %dma_wait3A_260 = tpu.memref_squeeze %dma_wait3A_259 : memref<1x128xi32, #tpu.memory_space<vmem>> -> memref<128xi32, #tpu.memory_space<vmem>>
      %dma_wait3A_261 = arith.constant 0 : i32
      %dma_wait3A_262 = arith.constant 0 : i32
      %dma_wait3A_263 = tpu.memref_slice %arg10[%dma_wait3A_261, %dma_wait3A_262] : memref<10240x160xbf16, #tpu.memory_space<vmem_shared>> -> memref<10240x160xbf16, #tpu.memory_space<vmem_shared>>
      tpu.wait_indirect_dma semaphore(%arg12 : memref<!tpu.dma_semaphore, #tpu.memory_space<semaphore_mem>>) src(%dma_wait3A_257 : memref<128x160xbf16, #tpu.memory_space<vmem>>) dst(%dma_wait3A_263 : memref<10240x160xbf16, #tpu.memory_space<vmem_shared>>)
      %dma_wait3A_264 = arith.constant 0 : i32
      %dma_wait3A_265 = arith.constant 0 : i32
      %dma_wait3A_266 = tpu.memref_slice %arg9[%rem3A_248, %dma_wait3A_264, %dma_wait3A_265] : memref<5x128x160xbf16, #tpu.memory_space<vmem>> -> memref<1x128x160xbf16, #tpu.memory_space<vmem>>
      %dma_wait3A_267 = tpu.memref_squeeze %dma_wait3A_266 : memref<1x128x160xbf16, #tpu.memory_space<vmem>> -> memref<128x160xbf16, #tpu.memory_space<vmem>>
      %dma_wait3A_268 = arith.constant 0 : i32
      %dma_wait3A_269 = tpu.memref_slice %arg7[%scan3A_247, %dma_wait3A_268] : memref<79x128xi32, #tpu.memory_space<vmem>> -> memref<1x128xi32, #tpu.memory_space<vmem>>
      %dma_wait3A_270 = tpu.memref_squeeze %dma_wait3A_269 : memref<1x128xi32, #tpu.memory_space<vmem>> -> memref<128xi32, #tpu.memory_space<vmem>>
      %dma_wait3A_271 = arith.constant 0 : i32
      %dma_wait3A_272 = arith.constant 0 : i32
      %dma_wait3A_273 = tpu.memref_slice %arg2[%dma_wait3A_271, %dma_wait3A_272] : memref<10240x160xbf16, #tpu.memory_space<hbm>> -> memref<10240x160xbf16, #tpu.memory_space<hbm>>
      tpu.wait_indirect_dma semaphore(%arg11 : memref<!tpu.dma_semaphore, #tpu.memory_space<semaphore_mem>>) src(%dma_wait3A_273 : memref<10240x160xbf16, #tpu.memory_space<hbm>>) dst(%dma_wait3A_267 : memref<128x160xbf16, #tpu.memory_space<vmem>>)
      %dma_start3A_274 = arith.constant 0 : i32
      %dma_start3A_275 = arith.constant 0 : i32
      %dma_start3A_276 = tpu.memref_slice %arg9[%rem3A_248, %dma_start3A_274, %dma_start3A_275] : memref<5x128x160xbf16, #tpu.memory_space<vmem>> -> memref<1x128x160xbf16, #tpu.memory_space<vmem>>
      %dma_start3A_277 = tpu.memref_squeeze %dma_start3A_276 : memref<1x128x160xbf16, #tpu.memory_space<vmem>> -> memref<128x160xbf16, #tpu.memory_space<vmem>>
      %dma_start3A_278 = arith.constant 0 : i32
      %dma_start3A_279 = tpu.memref_slice %arg8[%scan3A_247, %dma_start3A_278] : memref<79x128xi32, #tpu.memory_space<vmem>> -> memref<1x128xi32, #tpu.memory_space<vmem>>
      %dma_start3A_280 = tpu.memref_squeeze %dma_start3A_279 : memref<1x128xi32, #tpu.memory_space<vmem>> -> memref<128xi32, #tpu.memory_space<vmem>>
      %dma_start3A_281 = arith.constant 0 : i32
      %dma_start3A_282 = arith.constant 0 : i32
      %dma_start3A_283 = tpu.memref_slice %arg10[%dma_start3A_281, %dma_start3A_282] : memref<10240x160xbf16, #tpu.memory_space<vmem_shared>> -> memref<10240x160xbf16, #tpu.memory_space<vmem_shared>>
      tpu.enqueue_indirect_dma source(%dma_start3A_277 : memref<128x160xbf16, #tpu.memory_space<vmem>>) target(%dma_start3A_283 : memref<10240x160xbf16, #tpu.memory_space<vmem_shared>>) offsets(%dma_start3A_280 : memref<128xi32, #tpu.memory_space<vmem>>) semaphore(%arg12 : memref<!tpu.dma_semaphore, #tpu.memory_space<semaphore_mem>>) {add = true}
      %add3A_284 = arith.constant 3 : i32
      %add3A_285 = arith.addi %scan3A_247, %add3A_284 : i32
      %add3A_286 = arith.constant 3 : i32
      %add3A_287 = arith.addi %scan3A_247, %add3A_286 : i32
      %rem3A_288 = arith.constant 5 : i32
      %rem3A_289 = arith.remsi %add3A_287, %rem3A_288 : i32
      %dma_start3A_290 = arith.constant 0 : i32
      %dma_start3A_291 = arith.constant 0 : i32
      %dma_start3A_292 = tpu.memref_slice %arg9[%rem3A_289, %dma_start3A_290, %dma_start3A_291] : memref<5x128x160xbf16, #tpu.memory_space<vmem>> -> memref<1x128x160xbf16, #tpu.memory_space<vmem>>
      %dma_start3A_293 = tpu.memref_squeeze %dma_start3A_292 : memref<1x128x160xbf16, #tpu.memory_space<vmem>> -> memref<128x160xbf16, #tpu.memory_space<vmem>>
      %dma_start3A_294 = arith.constant 0 : i32
      %dma_start3A_295 = tpu.memref_slice %arg7[%add3A_285, %dma_start3A_294] : memref<79x128xi32, #tpu.memory_space<vmem>> -> memref<1x128xi32, #tpu.memory_space<vmem>>
      %dma_start3A_296 = tpu.memref_squeeze %dma_start3A_295 : memref<1x128xi32, #tpu.memory_space<vmem>> -> memref<128xi32, #tpu.memory_space<vmem>>
      %dma_start3A_297 = arith.constant 0 : i32
      %dma_start3A_298 = arith.constant 0 : i32
      %dma_start3A_299 = tpu.memref_slice %arg2[%dma_start3A_297, %dma_start3A_298] : memref<10240x160xbf16, #tpu.memory_space<hbm>> -> memref<10240x160xbf16, #tpu.memory_space<hbm>>
      tpu.enqueue_indirect_dma source(%dma_start3A_299 : memref<10240x160xbf16, #tpu.memory_space<hbm>>) target(%dma_start3A_293 : memref<128x160xbf16, #tpu.memory_space<vmem>>) offsets(%dma_start3A_296 : memref<128xi32, #tpu.memory_space<vmem>>) semaphore(%arg11 : memref<!tpu.dma_semaphore, #tpu.memory_space<semaphore_mem>>)
    }
    %scan3A_113 = arith.constant 74 : i32
    %dma_wait3A_114 = arith.constant 4 : i32
    %dma_wait3A_115 = arith.constant 74 : i32
    %dma_wait3A_116 = arith.constant 0 : i32
    %dma_wait3A_117 = arith.constant 0 : i32
    %dma_wait3A_118 = tpu.memref_slice %arg9[%dma_wait3A_114, %dma_wait3A_116, %dma_wait3A_117] : memref<5x128x160xbf16, #tpu.memory_space<vmem>> -> memref<1x128x160xbf16, #tpu.memory_space<vmem>>
    %dma_wait3A_119 = tpu.memref_squeeze %dma_wait3A_118 : memref<1x128x160xbf16, #tpu.memory_space<vmem>> -> memref<128x160xbf16, #tpu.memory_space<vmem>>
    %dma_wait3A_120 = arith.constant 0 : i32
    %dma_wait3A_121 = tpu.memref_slice %arg8[%dma_wait3A_115, %dma_wait3A_120] : memref<79x128xi32, #tpu.memory_space<vmem>> -> memref<1x128xi32, #tpu.memory_space<vmem>>
    %dma_wait3A_122 = tpu.memref_squeeze %dma_wait3A_121 : memref<1x128xi32, #tpu.memory_space<vmem>> -> memref<128xi32, #tpu.memory_space<vmem>>
    %dma_wait3A_123 = arith.constant 0 : i32
    %dma_wait3A_124 = arith.constant 0 : i32
    %dma_wait3A_125 = tpu.memref_slice %arg10[%dma_wait3A_123, %dma_wait3A_124] : memref<10240x160xbf16, #tpu.memory_space<vmem_shared>> -> memref<10240x160xbf16, #tpu.memory_space<vmem_shared>>
    tpu.wait_indirect_dma semaphore(%arg12 : memref<!tpu.dma_semaphore, #tpu.memory_space<semaphore_mem>>) src(%dma_wait3A_119 : memref<128x160xbf16, #tpu.memory_space<vmem>>) dst(%dma_wait3A_125 : memref<10240x160xbf16, #tpu.memory_space<vmem_shared>>)
    %dma_wait3A_126 = arith.constant 76 : i32
    %dma_wait3A_127 = arith.constant 1 : i32
    %dma_wait3A_128 = arith.constant 0 : i32
    %dma_wait3A_129 = arith.constant 0 : i32
    %dma_wait3A_130 = tpu.memref_slice %arg9[%dma_wait3A_127, %dma_wait3A_128, %dma_wait3A_129] : memref<5x128x160xbf16, #tpu.memory_space<vmem>> -> memref<1x128x160xbf16, #tpu.memory_space<vmem>>
    %dma_wait3A_131 = tpu.memref_squeeze %dma_wait3A_130 : memref<1x128x160xbf16, #tpu.memory_space<vmem>> -> memref<128x160xbf16, #tpu.memory_space<vmem>>
    %dma_wait3A_132 = arith.constant 0 : i32
    %dma_wait3A_133 = tpu.memref_slice %arg7[%dma_wait3A_126, %dma_wait3A_132] : memref<79x128xi32, #tpu.memory_space<vmem>> -> memref<1x128xi32, #tpu.memory_space<vmem>>
    %dma_wait3A_134 = tpu.memref_squeeze %dma_wait3A_133 : memref<1x128xi32, #tpu.memory_space<vmem>> -> memref<128xi32, #tpu.memory_space<vmem>>
    %dma_wait3A_135 = arith.constant 0 : i32
    %dma_wait3A_136 = arith.constant 0 : i32
    %dma_wait3A_137 = tpu.memref_slice %arg2[%dma_wait3A_135, %dma_wait3A_136] : memref<10240x160xbf16, #tpu.memory_space<hbm>> -> memref<10240x160xbf16, #tpu.memory_space<hbm>>
    tpu.wait_indirect_dma semaphore(%arg11 : memref<!tpu.dma_semaphore, #tpu.memory_space<semaphore_mem>>) src(%dma_wait3A_137 : memref<10240x160xbf16, #tpu.memory_space<hbm>>) dst(%dma_wait3A_131 : memref<128x160xbf16, #tpu.memory_space<vmem>>)
    %dma_start3A_138 = arith.constant 1 : i32
    %dma_start3A_139 = arith.constant 76 : i32
    %dma_start3A_140 = arith.constant 0 : i32
    %dma_start3A_141 = arith.constant 0 : i32
    %dma_start3A_142 = tpu.memref_slice %arg9[%dma_start3A_138, %dma_start3A_140, %dma_start3A_141] : memref<5x128x160xbf16, #tpu.memory_space<vmem>> -> memref<1x128x160xbf16, #tpu.memory_space<vmem>>
    %dma_start3A_143 = tpu.memref_squeeze %dma_start3A_142 : memref<1x128x160xbf16, #tpu.memory_space<vmem>> -> memref<128x160xbf16, #tpu.memory_space<vmem>>
    %dma_start3A_144 = arith.constant 0 : i32
    %dma_start3A_145 = tpu.memref_slice %arg8[%dma_start3A_139, %dma_start3A_144] : memref<79x128xi32, #tpu.memory_space<vmem>> -> memref<1x128xi32, #tpu.memory_space<vmem>>
    %dma_start3A_146 = tpu.memref_squeeze %dma_start3A_145 : memref<1x128xi32, #tpu.memory_space<vmem>> -> memref<128xi32, #tpu.memory_space<vmem>>
    %dma_start3A_147 = arith.constant 0 : i32
    %dma_start3A_148 = arith.constant 0 : i32
    %dma_start3A_149 = tpu.memref_slice %arg10[%dma_start3A_147, %dma_start3A_148] : memref<10240x160xbf16, #tpu.memory_space<vmem_shared>> -> memref<10240x160xbf16, #tpu.memory_space<vmem_shared>>
    tpu.enqueue_indirect_dma source(%dma_start3A_143 : memref<128x160xbf16, #tpu.memory_space<vmem>>) target(%dma_start3A_149 : memref<10240x160xbf16, #tpu.memory_space<vmem_shared>>) offsets(%dma_start3A_146 : memref<128xi32, #tpu.memory_space<vmem>>) semaphore(%arg12 : memref<!tpu.dma_semaphore, #tpu.memory_space<semaphore_mem>>) {add = true}
    %dma_wait3A_150 = arith.constant 0 : i32
    %dma_wait3A_151 = arith.constant 75 : i32
    %dma_wait3A_152 = arith.constant 0 : i32
    %dma_wait3A_153 = arith.constant 0 : i32
    %dma_wait3A_154 = tpu.memref_slice %arg9[%dma_wait3A_150, %dma_wait3A_152, %dma_wait3A_153] : memref<5x128x160xbf16, #tpu.memory_space<vmem>> -> memref<1x128x160xbf16, #tpu.memory_space<vmem>>
    %dma_wait3A_155 = tpu.memref_squeeze %dma_wait3A_154 : memref<1x128x160xbf16, #tpu.memory_space<vmem>> -> memref<128x160xbf16, #tpu.memory_space<vmem>>
    %dma_wait3A_156 = arith.constant 0 : i32
    %dma_wait3A_157 = tpu.memref_slice %arg8[%dma_wait3A_151, %dma_wait3A_156] : memref<79x128xi32, #tpu.memory_space<vmem>> -> memref<1x128xi32, #tpu.memory_space<vmem>>
    %dma_wait3A_158 = tpu.memref_squeeze %dma_wait3A_157 : memref<1x128xi32, #tpu.memory_space<vmem>> -> memref<128xi32, #tpu.memory_space<vmem>>
    %dma_wait3A_159 = arith.constant 0 : i32
    %dma_wait3A_160 = arith.constant 0 : i32
    %dma_wait3A_161 = tpu.memref_slice %arg10[%dma_wait3A_159, %dma_wait3A_160] : memref<10240x160xbf16, #tpu.memory_space<vmem_shared>> -> memref<10240x160xbf16, #tpu.memory_space<vmem_shared>>
    tpu.wait_indirect_dma semaphore(%arg12 : memref<!tpu.dma_semaphore, #tpu.memory_space<semaphore_mem>>) src(%dma_wait3A_155 : memref<128x160xbf16, #tpu.memory_space<vmem>>) dst(%dma_wait3A_161 : memref<10240x160xbf16, #tpu.memory_space<vmem_shared>>)
    %dma_wait3A_162 = arith.constant 77 : i32
    %dma_wait3A_163 = arith.constant 2 : i32
    %dma_wait3A_164 = arith.constant 0 : i32
    %dma_wait3A_165 = arith.constant 0 : i32
    %dma_wait3A_166 = tpu.memref_slice %arg9[%dma_wait3A_163, %dma_wait3A_164, %dma_wait3A_165] : memref<5x128x160xbf16, #tpu.memory_space<vmem>> -> memref<1x128x160xbf16, #tpu.memory_space<vmem>>
    %dma_wait3A_167 = tpu.memref_squeeze %dma_wait3A_166 : memref<1x128x160xbf16, #tpu.memory_space<vmem>> -> memref<128x160xbf16, #tpu.memory_space<vmem>>
    %dma_wait3A_168 = arith.constant 0 : i32
    %dma_wait3A_169 = tpu.memref_slice %arg7[%dma_wait3A_162, %dma_wait3A_168] : memref<79x128xi32, #tpu.memory_space<vmem>> -> memref<1x128xi32, #tpu.memory_space<vmem>>
    %dma_wait3A_170 = tpu.memref_squeeze %dma_wait3A_169 : memref<1x128xi32, #tpu.memory_space<vmem>> -> memref<128xi32, #tpu.memory_space<vmem>>
    %dma_wait3A_171 = arith.constant 0 : i32
    %dma_wait3A_172 = arith.constant 0 : i32
    %dma_wait3A_173 = tpu.memref_slice %arg2[%dma_wait3A_171, %dma_wait3A_172] : memref<10240x160xbf16, #tpu.memory_space<hbm>> -> memref<10240x160xbf16, #tpu.memory_space<hbm>>
    tpu.wait_indirect_dma semaphore(%arg11 : memref<!tpu.dma_semaphore, #tpu.memory_space<semaphore_mem>>) src(%dma_wait3A_173 : memref<10240x160xbf16, #tpu.memory_space<hbm>>) dst(%dma_wait3A_167 : memref<128x160xbf16, #tpu.memory_space<vmem>>)
    %dma_start3A_174 = arith.constant 2 : i32
    %dma_start3A_175 = arith.constant 77 : i32
    %dma_start3A_176 = arith.constant 0 : i32
    %dma_start3A_177 = arith.constant 0 : i32
    %dma_start3A_178 = tpu.memref_slice %arg9[%dma_start3A_174, %dma_start3A_176, %dma_start3A_177] : memref<5x128x160xbf16, #tpu.memory_space<vmem>> -> memref<1x128x160xbf16, #tpu.memory_space<vmem>>
    %dma_start3A_179 = tpu.memref_squeeze %dma_start3A_178 : memref<1x128x160xbf16, #tpu.memory_space<vmem>> -> memref<128x160xbf16, #tpu.memory_space<vmem>>
    %dma_start3A_180 = arith.constant 0 : i32
    %dma_start3A_181 = tpu.memref_slice %arg8[%dma_start3A_175, %dma_start3A_180] : memref<79x128xi32, #tpu.memory_space<vmem>> -> memref<1x128xi32, #tpu.memory_space<vmem>>
    %dma_start3A_182 = tpu.memref_squeeze %dma_start3A_181 : memref<1x128xi32, #tpu.memory_space<vmem>> -> memref<128xi32, #tpu.memory_space<vmem>>
    %dma_start3A_183 = arith.constant 0 : i32
    %dma_start3A_184 = arith.constant 0 : i32
    %dma_start3A_185 = tpu.memref_slice %arg10[%dma_start3A_183, %dma_start3A_184] : memref<10240x160xbf16, #tpu.memory_space<vmem_shared>> -> memref<10240x160xbf16, #tpu.memory_space<vmem_shared>>
    tpu.enqueue_indirect_dma source(%dma_start3A_179 : memref<128x160xbf16, #tpu.memory_space<vmem>>) target(%dma_start3A_185 : memref<10240x160xbf16, #tpu.memory_space<vmem_shared>>) offsets(%dma_start3A_182 : memref<128xi32, #tpu.memory_space<vmem>>) semaphore(%arg12 : memref<!tpu.dma_semaphore, #tpu.memory_space<semaphore_mem>>) {add = true}
    %dma_wait3A_186 = arith.constant 1 : i32
    %dma_wait3A_187 = arith.constant 76 : i32
    %dma_wait3A_188 = arith.constant 0 : i32
    %dma_wait3A_189 = arith.constant 0 : i32
    %dma_wait3A_190 = tpu.memref_slice %arg9[%dma_wait3A_186, %dma_wait3A_188, %dma_wait3A_189] : memref<5x128x160xbf16, #tpu.memory_space<vmem>> -> memref<1x128x160xbf16, #tpu.memory_space<vmem>>
    %dma_wait3A_191 = tpu.memref_squeeze %dma_wait3A_190 : memref<1x128x160xbf16, #tpu.memory_space<vmem>> -> memref<128x160xbf16, #tpu.memory_space<vmem>>
    %dma_wait3A_192 = arith.constant 0 : i32
    %dma_wait3A_193 = tpu.memref_slice %arg8[%dma_wait3A_187, %dma_wait3A_192] : memref<79x128xi32, #tpu.memory_space<vmem>> -> memref<1x128xi32, #tpu.memory_space<vmem>>
    %dma_wait3A_194 = tpu.memref_squeeze %dma_wait3A_193 : memref<1x128xi32, #tpu.memory_space<vmem>> -> memref<128xi32, #tpu.memory_space<vmem>>
    %dma_wait3A_195 = arith.constant 0 : i32
    %dma_wait3A_196 = arith.constant 0 : i32
    %dma_wait3A_197 = tpu.memref_slice %arg10[%dma_wait3A_195, %dma_wait3A_196] : memref<10240x160xbf16, #tpu.memory_space<vmem_shared>> -> memref<10240x160xbf16, #tpu.memory_space<vmem_shared>>
    tpu.wait_indirect_dma semaphore(%arg12 : memref<!tpu.dma_semaphore, #tpu.memory_space<semaphore_mem>>) src(%dma_wait3A_191 : memref<128x160xbf16, #tpu.memory_space<vmem>>) dst(%dma_wait3A_197 : memref<10240x160xbf16, #tpu.memory_space<vmem_shared>>)
    %dma_wait3A_198 = arith.constant 78 : i32
    %dma_wait3A_199 = arith.constant 3 : i32
    %dma_wait3A_200 = arith.constant 0 : i32
    %dma_wait3A_201 = arith.constant 0 : i32
    %dma_wait3A_202 = tpu.memref_slice %arg9[%dma_wait3A_199, %dma_wait3A_200, %dma_wait3A_201] : memref<5x128x160xbf16, #tpu.memory_space<vmem>> -> memref<1x128x160xbf16, #tpu.memory_space<vmem>>
    %dma_wait3A_203 = tpu.memref_squeeze %dma_wait3A_202 : memref<1x128x160xbf16, #tpu.memory_space<vmem>> -> memref<128x160xbf16, #tpu.memory_space<vmem>>
    %dma_wait3A_204 = arith.constant 0 : i32
    %dma_wait3A_205 = tpu.memref_slice %arg7[%dma_wait3A_198, %dma_wait3A_204] : memref<79x128xi32, #tpu.memory_space<vmem>> -> memref<1x128xi32, #tpu.memory_space<vmem>>
    %dma_wait3A_206 = tpu.memref_squeeze %dma_wait3A_205 : memref<1x128xi32, #tpu.memory_space<vmem>> -> memref<128xi32, #tpu.memory_space<vmem>>
    %dma_wait3A_207 = arith.constant 0 : i32
    %dma_wait3A_208 = arith.constant 0 : i32
    %dma_wait3A_209 = tpu.memref_slice %arg2[%dma_wait3A_207, %dma_wait3A_208] : memref<10240x160xbf16, #tpu.memory_space<hbm>> -> memref<10240x160xbf16, #tpu.memory_space<hbm>>
    tpu.wait_indirect_dma semaphore(%arg11 : memref<!tpu.dma_semaphore, #tpu.memory_space<semaphore_mem>>) src(%dma_wait3A_209 : memref<10240x160xbf16, #tpu.memory_space<hbm>>) dst(%dma_wait3A_203 : memref<128x160xbf16, #tpu.memory_space<vmem>>)
    %dma_start3A_210 = arith.constant 3 : i32
    %dma_start3A_211 = arith.constant 78 : i32
    %dma_start3A_212 = arith.constant 0 : i32
    %dma_start3A_213 = arith.constant 0 : i32
    %dma_start3A_214 = tpu.memref_slice %arg9[%dma_start3A_210, %dma_start3A_212, %dma_start3A_213] : memref<5x128x160xbf16, #tpu.memory_space<vmem>> -> memref<1x128x160xbf16, #tpu.memory_space<vmem>>
    %dma_start3A_215 = tpu.memref_squeeze %dma_start3A_214 : memref<1x128x160xbf16, #tpu.memory_space<vmem>> -> memref<128x160xbf16, #tpu.memory_space<vmem>>
    %dma_start3A_216 = arith.constant 0 : i32
    %dma_start3A_217 = tpu.memref_slice %arg8[%dma_start3A_211, %dma_start3A_216] : memref<79x128xi32, #tpu.memory_space<vmem>> -> memref<1x128xi32, #tpu.memory_space<vmem>>
    %dma_start3A_218 = tpu.memref_squeeze %dma_start3A_217 : memref<1x128xi32, #tpu.memory_space<vmem>> -> memref<128xi32, #tpu.memory_space<vmem>>
    %dma_start3A_219 = arith.constant 0 : i32
    %dma_start3A_220 = arith.constant 0 : i32
    %dma_start3A_221 = tpu.memref_slice %arg10[%dma_start3A_219, %dma_start3A_220] : memref<10240x160xbf16, #tpu.memory_space<vmem_shared>> -> memref<10240x160xbf16, #tpu.memory_space<vmem_shared>>
    tpu.enqueue_indirect_dma source(%dma_start3A_215 : memref<128x160xbf16, #tpu.memory_space<vmem>>) target(%dma_start3A_221 : memref<10240x160xbf16, #tpu.memory_space<vmem_shared>>) offsets(%dma_start3A_218 : memref<128xi32, #tpu.memory_space<vmem>>) semaphore(%arg12 : memref<!tpu.dma_semaphore, #tpu.memory_space<semaphore_mem>>) {add = true}
    %dma_wait3A_222 = arith.constant 2 : i32
    %dma_wait3A_223 = arith.constant 77 : i32
    %dma_wait3A_224 = arith.constant 0 : i32
    %dma_wait3A_225 = arith.constant 0 : i32
    %dma_wait3A_226 = tpu.memref_slice %arg9[%dma_wait3A_222, %dma_wait3A_224, %dma_wait3A_225] : memref<5x128x160xbf16, #tpu.memory_space<vmem>> -> memref<1x128x160xbf16, #tpu.memory_space<vmem>>
    %dma_wait3A_227 = tpu.memref_squeeze %dma_wait3A_226 : memref<1x128x160xbf16, #tpu.memory_space<vmem>> -> memref<128x160xbf16, #tpu.memory_space<vmem>>
    %dma_wait3A_228 = arith.constant 0 : i32
    %dma_wait3A_229 = tpu.memref_slice %arg8[%dma_wait3A_223, %dma_wait3A_228] : memref<79x128xi32, #tpu.memory_space<vmem>> -> memref<1x128xi32, #tpu.memory_space<vmem>>
    %dma_wait3A_230 = tpu.memref_squeeze %dma_wait3A_229 : memref<1x128xi32, #tpu.memory_space<vmem>> -> memref<128xi32, #tpu.memory_space<vmem>>
    %dma_wait3A_231 = arith.constant 0 : i32
    %dma_wait3A_232 = arith.constant 0 : i32
    %dma_wait3A_233 = tpu.memref_slice %arg10[%dma_wait3A_231, %dma_wait3A_232] : memref<10240x160xbf16, #tpu.memory_space<vmem_shared>> -> memref<10240x160xbf16, #tpu.memory_space<vmem_shared>>
    tpu.wait_indirect_dma semaphore(%arg12 : memref<!tpu.dma_semaphore, #tpu.memory_space<semaphore_mem>>) src(%dma_wait3A_227 : memref<128x160xbf16, #tpu.memory_space<vmem>>) dst(%dma_wait3A_233 : memref<10240x160xbf16, #tpu.memory_space<vmem_shared>>)
    %dma_wait3A_234 = arith.constant 3 : i32
    %dma_wait3A_235 = arith.constant 78 : i32
    %dma_wait3A_236 = arith.constant 0 : i32
    %dma_wait3A_237 = arith.constant 0 : i32
    %dma_wait3A_238 = tpu.memref_slice %arg9[%dma_wait3A_234, %dma_wait3A_236, %dma_wait3A_237] : memref<5x128x160xbf16, #tpu.memory_space<vmem>> -> memref<1x128x160xbf16, #tpu.memory_space<vmem>>
    %dma_wait3A_239 = tpu.memref_squeeze %dma_wait3A_238 : memref<1x128x160xbf16, #tpu.memory_space<vmem>> -> memref<128x160xbf16, #tpu.memory_space<vmem>>
    %dma_wait3A_240 = arith.constant 0 : i32
    %dma_wait3A_241 = tpu.memref_slice %arg8[%dma_wait3A_235, %dma_wait3A_240] : memref<79x128xi32, #tpu.memory_space<vmem>> -> memref<1x128xi32, #tpu.memory_space<vmem>>
    %dma_wait3A_242 = tpu.memref_squeeze %dma_wait3A_241 : memref<1x128xi32, #tpu.memory_space<vmem>> -> memref<128xi32, #tpu.memory_space<vmem>>
    %dma_wait3A_243 = arith.constant 0 : i32
    %dma_wait3A_244 = arith.constant 0 : i32
    %dma_wait3A_245 = tpu.memref_slice %arg10[%dma_wait3A_243, %dma_wait3A_244] : memref<10240x160xbf16, #tpu.memory_space<vmem_shared>> -> memref<10240x160xbf16, #tpu.memory_space<vmem_shared>>
    tpu.wait_indirect_dma semaphore(%arg12 : memref<!tpu.dma_semaphore, #tpu.memory_space<semaphore_mem>>) src(%dma_wait3A_239 : memref<128x160xbf16, #tpu.memory_space<vmem>>) dst(%dma_wait3A_245 : memref<10240x160xbf16, #tpu.memory_space<vmem_shared>>)
    %barrier3A_246 = arith.constant 0 : index
    tpu.barrier barrier_id(%barrier3A_246)
    "tpu.region"() ({
      %run_scoped3A = tpu.sem_alloc : memref<!tpu.dma_semaphore, #tpu.memory_space<semaphore_mem>>
      %dma_start3A_247 = arith.constant 0 : i32
      %dma_start3A_248 = tpu.memref_slice %arg6[%arg0, %mul3A_0, %dma_start3A_247] : memref<2x10240x160xbf16, #tpu.memory_space<hbm>> -> memref<1x640x160xbf16, #tpu.memory_space<hbm>>
      %dma_start3A_249 = tpu.memref_squeeze %dma_start3A_248 : memref<1x640x160xbf16, #tpu.memory_space<hbm>> -> memref<640x160xbf16, #tpu.memory_space<hbm>>
      %dma_start3A_250 = arith.constant 0 : i32
      %dma_start3A_251 = tpu.memref_slice %arg10[%mul3A_0, %dma_start3A_250] : memref<10240x160xbf16, #tpu.memory_space<vmem_shared>> -> memref<640x160xbf16, #tpu.memory_space<vmem_shared>>
      tpu.enqueue_dma source(%dma_start3A_251 : memref<640x160xbf16, #tpu.memory_space<vmem_shared>>) target(%dma_start3A_249 : memref<640x160xbf16, #tpu.memory_space<hbm>>) target_semaphore(%run_scoped3A : memref<!tpu.dma_semaphore, #tpu.memory_space<semaphore_mem>>)
      %dma_wait3A_252 = arith.constant 0 : i32
      %dma_wait3A_253 = tpu.memref_slice %arg6[%arg0, %mul3A_0, %dma_wait3A_252] : memref<2x10240x160xbf16, #tpu.memory_space<hbm>> -> memref<1x640x160xbf16, #tpu.memory_space<hbm>>
      %dma_wait3A_254 = tpu.memref_squeeze %dma_wait3A_253 : memref<1x640x160xbf16, #tpu.memory_space<hbm>> -> memref<640x160xbf16, #tpu.memory_space<hbm>>
      %dma_wait3A_255 = arith.constant 0 : i32
      %dma_wait3A_256 = tpu.memref_slice %arg10[%mul3A_0, %dma_wait3A_255] : memref<10240x160xbf16, #tpu.memory_space<vmem_shared>> -> memref<640x160xbf16, #tpu.memory_space<vmem_shared>>
      tpu.wait_dma2 semaphore(%run_scoped3A : memref<!tpu.dma_semaphore, #tpu.memory_space<semaphore_mem>>) src(%dma_wait3A_256 : memref<640x160xbf16, #tpu.memory_space<vmem_shared>>) dst(%dma_wait3A_254 : memref<640x160xbf16, #tpu.memory_space<hbm>>)
      tpu.yield
    }) : () -> ()
    return
  }
}

module attributes {stable_mosaic.version = 14 : i64} {
  func.func @_proj_body(%arg0: i32, %arg1: memref<128x2048xf32, #tpu.memory_space<vmem>>, %arg2: memref<128x256xf32, #tpu.memory_space<vmem>>, %arg3: memref<2048x128xf32, #tpu.memory_space<vmem>>, %arg4: memref<2048x160xbf16, #tpu.memory_space<vmem>>) attributes {dimension_semantics = [#tpu.dimension_semantics<arbitrary>], iteration_bounds = array<i64: 5>, scalar_prefetch = 0 : i64, scratch_operands = 0 : i64, tpu.core_type = #tpu.core_type<tc>, window_params = [{transform_indices = @transform_0, window_bounds = array<i64: 128, 2048>}, {pipeline_mode = #tpu.pipeline_mode<synchronous>, transform_indices = @transform_1, window_bounds = array<i64: 128, 256>}, {transform_indices = @transform_2, window_bounds = array<i64: 2048, 128>}, {transform_indices = @transform_3, window_bounds = array<i64: 2048, 160>}]} {
    %get3A = arith.constant 0 : index
    %get3A_0 = arith.constant 0 : index
    %get3A_1 = vector.load %arg1[%get3A, %get3A_0] : memref<128x2048xf32, #tpu.memory_space<vmem>>, vector<128x2048xf32>
    %get3A_2 = arith.constant 0 : index
    %get3A_3 = arith.constant 0 : index
    %get3A_4 = vector.load %arg2[%get3A_2, %get3A_3] : memref<128x256xf32, #tpu.memory_space<vmem>>, vector<128x256xf32>
    %slice3A = vector.extract_strided_slice %get3A_4 {offsets = [0, 0], sizes = [128, 128], strides = [1, 1]} : vector<128x256xf32> to vector<128x128xf32>
    %slice3A_5 = vector.extract_strided_slice %get3A_4 {offsets = [0, 128], sizes = [128, 128], strides = [1, 1]} : vector<128x256xf32> to vector<128x128xf32>
    %sub3A = arith.subf %slice3A, %slice3A_5 : vector<128x128xf32>
    %dot_general3A = arith.constant dense<0.000000e+00> : vector<2048x128xf32>
    %dot_general3A_6 = tpu.matmul %get3A_1, %sub3A, %dot_general3A {dimension_numbers = #tpu.dot_dimension_numbers<[0], [1], [1], [0], [0, 1, 1, 0], [], []>, transpose_lhs_hint = false} : vector<128x2048xf32>, vector<128x128xf32>, vector<2048x128xf32> -> vector<2048x128xf32>
    %swap3A = arith.constant 0 : index
    %swap3A_7 = arith.constant 0 : index
    %swap3A_8 = vector.load %arg3[%swap3A, %swap3A_7] : memref<2048x128xf32, #tpu.memory_space<vmem>>, vector<2048x128xf32>
    tpu.vector_store %arg3[%swap3A, %swap3A_7], %dot_general3A_6 {strides = array<i32>} : memref<2048x128xf32, #tpu.memory_space<vmem>>, vector<2048x128xf32>,
    %dot_general3A_9 = arith.constant dense<0.000000e+00> : vector<2048x128xf32>
    %dot_general3A_10 = tpu.matmul %get3A_1, %slice3A_5, %dot_general3A_9 {dimension_numbers = #tpu.dot_dimension_numbers<[0], [1], [1], [0], [0, 1, 1, 0], [], []>, transpose_lhs_hint = false} : vector<128x2048xf32>, vector<128x128xf32>, vector<2048x128xf32> -> vector<2048x128xf32>
    %broadcast_in_dim3A = arith.constant 1.000000e+00 : f32
    %broadcast_in_dim3A_11 = vector.broadcast %broadcast_in_dim3A : f32 to vector<2048x1xf32>
    %broadcast_in_dim3A_12 = arith.constant 0.000000e+00 : f32
    %broadcast_in_dim3A_13 = vector.broadcast %broadcast_in_dim3A_12 : f32 to vector<2048x31xf32>
    %concatenate3A = tpu.concatenate %dot_general3A_10, %broadcast_in_dim3A_11, %broadcast_in_dim3A_13 in 1 : vector<2048x128xf32>, vector<2048x1xf32>, vector<2048x31xf32> -> vector<2048x160xf32>
    %convert_element_type3A = arith.truncf %concatenate3A : vector<2048x160xf32> to vector<2048x160xbf16>
    %swap3A_14 = arith.constant 0 : index
    %swap3A_15 = arith.constant 0 : index
    %swap3A_16 = vector.load %arg4[%swap3A_14, %swap3A_15] : memref<2048x160xbf16, #tpu.memory_space<vmem>>, vector<2048x160xbf16>
    tpu.vector_store %arg4[%swap3A_14, %swap3A_15], %convert_element_type3A {strides = array<i32>} : memref<2048x160xbf16, #tpu.memory_space<vmem>>, vector<2048x160xbf16>,
    return
  }
  func.func @transform_0(%arg0: i32) -> (i32, i32) {
    %c0_i32 = arith.constant 0 : i32
    %c0_i32_0 = arith.constant 0 : i32
    return %c0_i32, %arg0 : i32, i32
  }
  func.func @transform_1(%arg0: i32) -> (i32, i32) {
    %c0_i32 = arith.constant 0 : i32
    %c0_i32_0 = arith.constant 0 : i32
    %c0_i32_1 = arith.constant 0 : i32
    return %c0_i32, %c0_i32_0 : i32, i32
  }
  func.func @transform_2(%arg0: i32) -> (i32, i32) {
    %c0_i32 = arith.constant 0 : i32
    %c0_i32_0 = arith.constant 0 : i32
    return %arg0, %c0_i32 : i32, i32
  }
  func.func @transform_3(%arg0: i32) -> (i32, i32) {
    %c0_i32 = arith.constant 0 : i32
    %c0_i32_0 = arith.constant 0 : i32
    return %arg0, %c0_i32 : i32, i32
  }
}

module attributes {stable_mosaic.version = 14 : i64} {
  func.func @_comb_body(%arg0: i32, %arg1: memref<2048x128xf32, #tpu.memory_space<vmem>>, %arg2: memref<2x2048x160xbf16, #tpu.memory_space<vmem>>, %arg3: memref<1x128xf32, #tpu.memory_space<vmem>>, %arg4: memref<2048x128xf32, #tpu.memory_space<vmem>>) attributes {dimension_semantics = [#tpu.dimension_semantics<arbitrary>], iteration_bounds = array<i64: 5>, scalar_prefetch = 0 : i64, scratch_operands = 0 : i64, tpu.core_type = #tpu.core_type<tc>, window_params = [{transform_indices = @transform_0, window_bounds = array<i64: 2048, 128>}, {transform_indices = @transform_1, window_bounds = array<i64: 2, 2048, 160>}, {pipeline_mode = #tpu.pipeline_mode<synchronous>, transform_indices = @transform_2, window_bounds = array<i64: 1, 128>}, {transform_indices = @transform_3, window_bounds = array<i64: 2048, 128>}]} {
    %get3A = arith.constant 0 : index
    %get3A_0 = arith.constant 0 : index
    %get3A_1 = arith.constant 0 : index
    %get3A_2 = vector.load %arg2[%get3A, %get3A_0, %get3A_1] : memref<2x2048x160xbf16, #tpu.memory_space<vmem>>, vector<1x2048x160xbf16>
    %get3A_3 = vector.shape_cast %get3A_2 : vector<1x2048x160xbf16> to vector<2048x160xbf16>
    %convert_element_type3A = arith.extf %get3A_3 : vector<2048x160xbf16> to vector<2048x160xf32>
    %get3A_4 = arith.constant 1 : index
    %get3A_5 = arith.constant 0 : index
    %get3A_6 = arith.constant 0 : index
    %get3A_7 = vector.load %arg2[%get3A_4, %get3A_5, %get3A_6] : memref<2x2048x160xbf16, #tpu.memory_space<vmem>>, vector<1x2048x160xbf16>
    %get3A_8 = vector.shape_cast %get3A_7 : vector<1x2048x160xbf16> to vector<2048x160xbf16>
    %convert_element_type3A_9 = arith.extf %get3A_8 : vector<2048x160xbf16> to vector<2048x160xf32>
    %add3A = arith.addf %convert_element_type3A, %convert_element_type3A_9 : vector<2048x160xf32>
    %slice3A = vector.extract_strided_slice %add3A {offsets = [0, 0], sizes = [2048, 128], strides = [1, 1]} : vector<2048x160xf32> to vector<2048x128xf32>
    %slice3A_10 = vector.extract_strided_slice %add3A {offsets = [0, 128], sizes = [2048, 1], strides = [1, 1]} : vector<2048x160xf32> to vector<2048x1xf32>
    %get3A_11 = arith.constant 0 : index
    %get3A_12 = arith.constant 0 : index
    %get3A_13 = vector.load %arg1[%get3A_11, %get3A_12] : memref<2048x128xf32, #tpu.memory_space<vmem>>, vector<2048x128xf32>
    %get3A_14 = arith.constant 0 : index
    %get3A_15 = arith.constant 0 : index
    %get3A_16 = vector.load %arg3[%get3A_14, %get3A_15] : memref<1x128xf32, #tpu.memory_space<vmem>>, vector<1x128xf32>
    %add3A_17 = vector.broadcast %get3A_16 : vector<1x128xf32> to vector<2048x128xf32>
    %add3A_18 = arith.addf %get3A_13, %add3A_17 : vector<2048x128xf32>
    %max3A = arith.constant 1.000000e+00 : f32
    %max3A_19 = vector.broadcast %max3A : f32 to vector<2048x1xf32>
    %max3A_20 = arith.maximumf %slice3A_10, %max3A_19 : vector<2048x1xf32>
    %div3A = vector.broadcast %max3A_20 : vector<2048x1xf32> to vector<2048x128xf32>
    %div3A_21 = arith.divf %slice3A, %div3A : vector<2048x128xf32>
    %add3A_22 = arith.addf %add3A_18, %div3A_21 : vector<2048x128xf32>
    %gt3A = arith.constant 0.000000e+00 : f32
    %gt3A_23 = vector.broadcast %gt3A : f32 to vector<2048x1xf32>
    %gt3A_24 = arith.cmpf ogt, %slice3A_10, %gt3A_23 : vector<2048x1xf32>
    %jit3A = arith.constant 0.000000e+00 : f32
    %broadcast_in_dim3A = vector.shape_cast %gt3A_24 : vector<2048x1xi1> to vector<2048x1xi1>
    %broadcast_in_dim3A_25 = vector.broadcast %broadcast_in_dim3A : vector<2048x1xi1> to vector<2048x128xi1>
    %broadcast_in_dim3A_26 = vector.broadcast %jit3A : f32 to vector<2048x128xf32>
    %select_n3A = arith.select %broadcast_in_dim3A_25, %add3A_22, %broadcast_in_dim3A_26 : vector<2048x128xi1>, vector<2048x128xf32>
    %gt3A_27 = arith.constant 0.000000e+00 : f32
    %gt3A_28 = vector.broadcast %gt3A_27 : f32 to vector<2048x128xf32>
    %gt3A_29 = arith.cmpf ogt, %select_n3A, %gt3A_28 : vector<2048x128xf32>
    %mul3A = arith.constant 3.000000e-01 : f32
    %mul3A_30 = vector.broadcast %mul3A : f32 to vector<2048x128xf32>
    %mul3A_31 = arith.mulf %mul3A_30, %select_n3A : vector<2048x128xf32>
    %select_n3A_32 = arith.select %gt3A_29, %select_n3A, %mul3A_31 : vector<2048x128xi1>, vector<2048x128xf32>
    %swap3A = arith.constant 0 : index
    %swap3A_33 = arith.constant 0 : index
    %swap3A_34 = vector.load %arg4[%swap3A, %swap3A_33] : memref<2048x128xf32, #tpu.memory_space<vmem>>, vector<2048x128xf32>
    tpu.vector_store %arg4[%swap3A, %swap3A_33], %select_n3A_32 {strides = array<i32>} : memref<2048x128xf32, #tpu.memory_space<vmem>>, vector<2048x128xf32>,
    return
  }
  func.func @transform_0(%arg0: i32) -> (i32, i32) {
    %c0_i32 = arith.constant 0 : i32
    %c0_i32_0 = arith.constant 0 : i32
    return %arg0, %c0_i32 : i32, i32
  }
  func.func @transform_1(%arg0: i32) -> (i32, i32, i32) {
    %c0_i32 = arith.constant 0 : i32
    %c0_i32_0 = arith.constant 0 : i32
    %c0_i32_1 = arith.constant 0 : i32
    return %c0_i32, %arg0, %c0_i32_0 : i32, i32, i32
  }
  func.func @transform_2(%arg0: i32) -> (i32, i32) {
    %c0_i32 = arith.constant 0 : i32
    %c0_i32_0 = arith.constant 0 : i32
    %c0_i32_1 = arith.constant 0 : i32
    return %c0_i32, %c0_i32_0 : i32, i32
  }
  func.func @transform_3(%arg0: i32) -> (i32, i32) {
    %c0_i32 = arith.constant 0 : i32
    %c0_i32_0 = arith.constant 0 : i32
    return %arg0, %c0_i32 : i32, i32
  }
}

</mosaic_0001>

<sc_bundles>
// kernel: kernel.5.cloned.1.call-start
scs
__scs_entry_jumppad:
0x0: {  	(pc) =	sbr.rel $0x88, $3  }
0x1: {  	(tag) =	ssettag $0x0;
	lr =	simm.s32 $0x1  }
0x2: {  	[smem:$0x3F9C] =	sst lr;
	_ =	strace $0xD0000000  }
0x3: {  	_ = 	snop  }
0x4: {  	_ = 	snop  }
0x5: {  	_ = 	snop  }
0x6: {  	_ = 	snop  }
0x7: {  	_ = 	snop  }
__scs_overlays_trampoline_lowered:
0x8: {  	[smem:$0x3FAB] =	sst s0  }
0x9: {  	[smem:$0x3FAC] =	sst s1  }
0xa: {  	[smem:$0x3FAD] =	sst s2  }
0xb: {  	[smem:$0x3FAE] =	sst s3  }
0xc: {  	[smem:$0x3FAF] =	sst s4  }
0xd: {  	[smem:$0x3FB0] =	sst s5  }
0xe: {  	[smem:$0x3FB1] =	sst s6  }
0xf: {  	[smem:$0x3FB2] =	sst s7  }
0x10: {  	[smem:$0x3FB3] =	sst s8  }
0x11: {  	[smem:$0x3FB4] =	sst s9;
	s0 =	simm.s32 @!p0 $0x0  }
0x12: {  	s1 =	sld [smem:$0x3F9A];
	s0 =	simm.s32 @p0 $0x1  }
0x13: {  	[smem:$0x3FB5] =	sst s0;
	s0 =	simm.s32 @!p1 $0x0  }
0x14: {  	s2 =	sld [smem:$0x3F99];
	s0 =	simm.s32 @p1 $0x1  }
0x15: {  	[smem:$0x3FB6] =	sst s0;
	s0 =	simm.s32 @!p2 $0x0  }
0x16: {  	s3 =	sld [smem:$0x3FDB];
	s0 =	simm.s32 @p2 $0x1  }
0x17: {  	s4 =	simm.s32 $0x1BF5;
	[smem:$0x3FB8] =	sst s0  }
0x18: {  	s0 =	sld [smem:$0x3F9B];
	_ =	swait.ge [sflag:s4], $0x0  }
0x19: {  	s7 =	sld [smem:$0x3F9C]  }
0x1a: {  	s8 =	sadd.s32 $0xFFFFE003, lr  }
0x1b: {  	s9 =	sadd.s32 $0xFFFFFEF7, lr;
	s5 =	simm.s32 $0xFFFFFFFF;
	p2 =	slt.u32 s8, $0xFFFFF086  }
0x1c: {  	p1 =	slt.u32 s9, $0xF7A;
	s5 =	simm.s32 @!p2 $0x0  }
0x1d: {  	s5 =	simm.s32 @p1 $0x1;
	p0 =	seq.s32 s7, s2  }
0x1e: {  	s7 =	smul.u32 @!p0 $0xF7A, s2;
	p2 =	seq.s32 @!p0 s5, $0x0  }
0x1f: {  	s9 =	smul.u32 $0xF7A, s1;
	s8 =	simm.s32 @!p0 $0x1BF5;
	p2 =	por !p2, p0  }
0x20: {  	[sflag:s8] =	ssyncset.s32 @!p0 $0xFFFFF086;
	s6 =	sadd.s32 @!p0 s3, s7;
	s7 =	simm.s32 @!p0 $0x108  }
0x21: {  	s3 =	sadd.s32 s3, s9;
	s6 =	sadd.s32 @!p0 $0x88, s6;
	s7 =	simm.s32 @p2 $0x1082  }
0x22: {  	[simem:s7], [sflag:s8] =	dma.local @!p0 [hbm:s6], $0xF7A  }
0x23: {  	s9 =	sor.u32 $0xD0000000, s2;
	s6 =	simm.s32 $0x108;
	_ =	swait.ge @!p0 [sflag:s8], $0x0  }
0x24: {  	s3 =	sadd.s32 $0x88, s3;
	s6 =	simm.s32 @!p1 $0x1082;
	[sflag:s4] =	ssyncset.s32 $0xFFFFF086  }
0x25: {  	[simem:s6], [sflag:s4] =	dma.local [hbm:s3], $0xF7A  }
0x26: {  	[smem:$0x3F9C] =	sst s1;
	(tag) =	ssettag s2;
	_ =	strace s9  }
0x27: {  	s1 =	sld [smem:$0x3FAC]  }
0x28: {  	s2 =	sld [smem:$0x3FAD]  }
0x29: {  	s4 =	sld [smem:$0x3FAF]  }
0x2a: {  	p0 =	seq.s32 s5, $0x0;
	s5 =	sld [smem:$0x3FB0]  }
0x2b: {  	s6 =	sld [smem:$0x3FB1]  }
0x2c: {  	s7 =	sld [smem:$0x3FB2]  }
0x2d: {  	s3 =	simm.s32 $0x108;
	s8 =	sld [smem:$0x3FB3]  }
0x2e: {  	s3 =	simm.s32 @!p0 $0x1082;
	s9 =	sld [smem:$0x3FB4]  }
0x2f: {  	lr =	sadd.s32 s0, s3;
	s0 =	sld [smem:$0x3FAB]  }
0x30: {  	s3 =	sld [smem:$0x3FAE]  }
0x31: {  	[smem:$0x3FB7] =	sst s10  }
0x32: {  	s10 =	sld [smem:$0x3FB5];
	_ =	sdelay $0x3  }
0x33: {  	p0 =	seq.s32 s10, $0x1;
	s10 =	sld [smem:$0x3FB7];
	_ =	sdelay $0x3  }
0x34: {  	[smem:$0x3FB7] =	sst s10  }
0x35: {  	s10 =	sld [smem:$0x3FB6];
	_ =	sdelay $0x3  }
0x36: {  	p1 =	seq.s32 s10, $0x1;
	s10 =	sld [smem:$0x3FB7];
	_ =	sdelay $0x3  }
0x37: {  	[smem:$0x3FB7] =	sst s10  }
0x38: {  	s10 =	sld [smem:$0x3FB8]  }
0x39: {  	_ = 	snop;
	(pc) =	sbr.ind lr, $3  }
0x3a: {  	_ = 	snop  }
0x3b: {  	_ = 	snop  }
0x3c: {  	p2 =	seq.s32 s10, $0x1;
	s10 =	sld [smem:$0x3FB7]  }
0x3d: {  	_ =	shalt  }
0x3e: {  	_ =	shalt  }
0x3f: {  	_ =	shalt  }
0x40: {  	_ =	shalt  }
0x41: {  	_ =	shalt  }
0x42: {  	_ =	shalt  }
0x43: {  	_ =	shalt  }
0x44: {  	_ =	shalt  }
0x45: {  	_ =	shalt  }
0x46: {  	_ =	shalt  }
0x47: {  	_ =	shalt  }
0x48: {  	_ =	shalt  }
0x49: {  	_ =	shalt  }
0x4a: {  	_ =	shalt  }
0x4b: {  	_ =	shalt  }
0x4c: {  	_ =	shalt  }
0x4d: {  	_ =	shalt  }
0x4e: {  	_ =	shalt  }
0x4f: {  	_ =	shalt  }
0x50: {  	_ =	shalt  }
0x51: {  	_ =	shalt  }
0x52: {  	_ =	shalt  }
0x53: {  	_ =	shalt  }
0x54: {  	_ =	shalt  }
0x55: {  	_ =	shalt  }
0x56: {  	_ =	shalt  }
0x57: {  	_ =	shalt  }
0x58: {  	_ =	shalt  }
0x59: {  	_ =	shalt  }
0x5a: {  	_ =	shalt  }
0x5b: {  	_ =	shalt  }
0x5c: {  	_ =	shalt  }
0x5d: {  	_ =	shalt  }
0x5e: {  	_ =	shalt  }
0x5f: {  	_ =	shalt  }
0x60: {  	_ =	shalt  }
0x61: {  	_ =	shalt  }
0x62: {  	_ =	shalt  }
0x63: {  	_ =	shalt  }
0x64: {  	_ =	shalt  }
0x65: {  	_ =	shalt  }
0x66: {  	_ =	shalt  }
0x67: {  	_ =	shalt  }
0x68: {  	_ =	shalt  }
0x69: {  	_ =	shalt  }
0x6a: {  	_ =	shalt  }
0x6b: {  	_ =	shalt  }
0x6c: {  	_ =	shalt  }
0x6d: {  	_ =	shalt  }
0x6e: {  	_ =	shalt  }
0x6f: {  	_ =	shalt  }
0x70: {  	_ =	shalt  }
0x71: {  	_ =	shalt  }
0x72: {  	_ =	shalt  }
0x73: {  	_ =	shalt  }
0x74: {  	_ =	shalt  }
0x75: {  	_ =	shalt  }
0x76: {  	_ =	shalt  }
0x77: {  	_ =	shalt  }
0x78: {  	_ =	shalt  }
0x79: {  	_ =	shalt  }
0x7a: {  	_ =	shalt  }
0x7b: {  	_ =	shalt  }
0x7c: {  	_ =	shalt  }
0x7d: {  	_ =	shalt  }
0x7e: {  	_ =	shalt  }
0x7f: {  	_ =	shalt  }
0x80: {  	_ =	shalt  }
0x81: {  	_ =	shalt  }
0x82: {  	_ =	shalt  }
0x83: {  	_ =	shalt  }
0x84: {  	_ =	shalt  }
0x85: {  	_ =	shalt  }
0x86: {  	_ =	shalt  }
0x87: {  	_ =	shalt  }
.Lfunc_end0:
.L_simem_size_0:
called_computation_lowered:
.L_overlay_start_0:
0x88: {  	s2 =	sld [smem:$0x3FD9]  }
0x89: {  	s3 =	sld [smem:$0x3FFE];
	_ =	sdelay $0x1  }
0x8a: {  	s1 =	srdreg.scid  }
0x8b: {  	s0 =	sand.u32 $0x1, s1  }
0x8c: {  	s17 =	sshll.u32 s0, $0xA;
	s2 =	sadd.s32 s3, s2  }
0x8d: {  	s2 =	sadd.s32 s2, s17  }
0x8e: {  	[smem:$0x3FC3] =	sst s2  }
0x8f: {  	_ = 	snop  }
0x90: {  	s2 =	sld [smem:$0x3FD0];
	(tm) =	ssettm $0x1  }
0x91: {  	s18 =	sld [smem:$0x3FFB];
	_ =	sdelay $0x3  }
0x92: {  	_ =	strace s18  }
0x93: {  	s3 =	sld [smem:$0x3FFC];
	_ =	sdelay $0x3  }
0x94: {  	_ =	strace s3  }
0x95: {  	s3 =	sld [smem:$0x3FFD];
	_ =	sdelay $0x3  }
0x96: {  	_ =	strace s3  }
0x97: {  	_ =	strace $0x8FFFFFFF  }
0x98: {  	s19 =	sld [smem:$0x3FDB];
	_ =	sdelay $0x1  }
0x99: {  	s4 =	simm.s32 $_scs_section_size  }
0x9a: {  	s5 =	simm.s32 $_size__tile_overlayer_lowered;
	s6 =	simm.s32 $_tile_overlayer_lowered  }
0x9b: {  	s22 =	simm.s32 $0x1BFF;
	s21 =	sshll.u32 s6, $0x1;
	s3 =	sadd.s32 s4, s19  }
0x9c: {  	s7 =	simm.s32 $0x0;
	s20 =	sshll.u32 s5, $0x1;
	s5 =	sadd.s32 s21, s3  }
0x9d: {  	[timem:s7], [sflag:s22] =	dma.local [hbm:s5], s20  }
0x9e: {  	_ =	swait.ge [sflag:s22], s20  }
0x9f: {  	s4 =	ssub.s32 $0x0, s20;
	[sflag:s22] =	ssyncset.done $0x0  }
0xa0: {  	[sflag:s22] =	ssyncadd.s32 s4;
	_ =	sdelay $0x1  }
0xa1: {  	s23 =	simm.s32 $0x1B8B  }
0xa2: {  	_ =	swait.ge [sflag:s23], $0x1  }
0xa3: {  	[sflag:s23] =	ssyncset.done $0x0  }
0xa4: {  	s25 =	simm.s32 $0x1B8E;
	s24 =	sld [smem:$0x3FFE];
	[sflag:s23] =	ssyncadd.s32 $0xFFFFFFFF  }
0xa5: {  	s26 =	simm.s32 $execute0_lowered;
	[smem:$0x3FD2] =	sst s25  }
0xa6: {  	s5 =	sshll.u32 s26, $0x1;
	_ =	strace $0x80000046;
	[dreg:$0x1] =	wrdreg $0xFFFFFFFF  }
0xa7: {  	s28 =	simm.s32 $_size_execute0_lowered;
	s3 =	sadd.s32 s3, s5;
	[dreg:$0x0] =	wrdreg $0x0  }
0xa8: {  	s5 =	sshll.u32 s28, $0x1;
	[dreg:$0x2] =	wrdreg s3  }
0xa9: {  	[dreg:$0x3] =	wrdreg s5  }
0xaa: {  	[dreg:$0x4] =	wrdreg $0xC0  }
0xab: {  	_ =	task [dreg:s7], $0x5FFFF  }
0xac: {  	[dreg:$0x1] =	wrdreg $0xFFFFFFFF  }
0xad: {  	[dreg:$0x0] =	wrdreg $0x60  }
0xae: {  	[dreg:$0x2] =	wrdreg s2  }
0xaf: {  	[dreg:$0x3] =	wrdreg s24  }
0xb0: {  	[dreg:$0x4] =	wrdreg $0x117000  }
0xb1: {  	[dreg:$0x5] =	wrdreg $0x9  }
0xb2: {  	_ =	task.clear_ibuf [dreg:s7], $0x6FFFF;
	_ =	strace $0x90000046  }
0xb3: {  	s29 =	simm.s32 $0x9;
	_ =	strace $0x80000048  }
0xb4: {  	_ =	swait.ge [sflag:s29], $0x1  }
0xb5: {  	[sflag:s29] =	ssyncadd.s32 $0xFFFFFFFF  }
0xb6: {  	_ =	strace $0x90000048  }
0xb7: {  	_ =	sfence  }
0xb8: {  	s30 =	sld [smem:$0x0];
	_ =	sdelay $0x2  }
0xb9: {  	s31 =	sshll.u32 s1, $0xD;
	s1 =	sshrl.u32 s1, $0x2  }
0xba: {  	s3 =	sand.u32 $0x4000, s31;
	s1 =	sadd.s32 s1, s30  }
0xbb: {  	s0 =	sor.u32 s3, s0;
	s1 =	sshll.u32 s1, $0x11  }
0xbc: {  	s0 =	sor.u32 s1, s0  }
0xbd: {  	s0 =	sadd.s32 $0x8F2B, s0  }
0xbe: {  	[sflag:s0] =	ssyncadd.remote.s32 $0x1  }
0xbf: {  	_ =	sfence.sel $0xFFFF  }
0xc0: {  	[dreg:$0x0] =	wrdreg $0xFFFFFFFF;
	(pc) =	sbr.abs _section_cstart, $3  }
0xc1: {  	[dreg:$0x1] =	wrdreg $0xFFFFFFFF  }
0xc2: {  	_ =	task.clear_ibuf [dreg:s7], $0x2FFFF;
	_ =	strace $0x9FFFFFFF  }
0xc3: {  	(tm) =	ssettm $0x7FFFFFFF  }
tec
execute0_lowered:
.L_overlay_start_1:
0x0: {  	(tag) =	ssettag $0x1  }
0x1: {  	s2 =	rddreg [dreg:$0x0]  }
0x2: {  	s0 =	srdreg.scid;
	s6 =	rddreg [dreg:$0x1]  }
0x3: {  	s10 =	stileid.u32;
	s3 =	rddreg [dreg:$0x2];
	s4 =	simm.s32 $0x0  }
0x4: {  	s12 =	simm.s32 $0x3;
	s13 =	simm.s32 $0x2780;
	s14 =	simm.s32 $0x80  }
0x5: {  	s15 =	simm.s32 $0x4F00;
	s16 =	simm.s32 $0x7700;
	s18 =	simm.s32 $0x9F00  }
0x6: {  	s19 =	simm.s32 $0x1;
	s21 =	simm.s32 $0xC700;
	s25 =	simm.s32 $0x2  }
0x7: {  	s30 =	simm.s32 $0x0;
	s0 =	sand.u32 $0x1, s0;
	s1 =	sshll.u32 s10, $0x1  }
0x8: {  	s7 =	smul.u32 $0x19000, s10;
	[smem:$0x7FF] =	sst s4;
	s28 =	sadd.s32 $0x1000, s6  }
0x9: {  	s31 =	sshll.u32 s10, $0x6;
	s1 =	sor.u32 s0, s1;
	s5 =	smul.u32 $0x190000, s0  }
0xa: {  	_ =	strace $0x80000047;
	s0 =	ssub.s32 $0x2, s0;
	s1 =	smul.u32 $0x4F0, s1  }
0xb: {  	[dreg:$0x4] =	wrdreg s28;
	s29 =	sshrl.u32 s0, $0x1;
	s8 =	sadd.s32 s7, s5  }
0xc: {  	s7 =	sshrl.u32 s7, $0x1;
	s0 =	ssub.s32 s0, s29;
	s1 =	sadd.s32 s1, s6  }
0xd: {  	s8 =	sshrl.u32 s8, $0x4;
	s11 =	sadd.s32 s7, s3;
	s10 =	smax.u32 s0, $0x1  }
0xe: {  	s9 =	sadd.s32 s8, s6;
	s6 =	sor.u32 $0x1C03, s31;
	s7 =	sadd.s32 $0xC800, s1  }
0xf: {  	s8 =	sadd.s32 $0x2A00, s1;
	s11 =	sshrl.u32 s11, $0x3;
	s9 =	sadd.s32 $0x16600, s9  }
.LBB2_1:
0x10: {  	s0 =	rddreg [dreg:$0x4]  }
0x11: {  	[spmem:s11], [sflag:s6] =	dma.local [hbm:s0], $0x1900  }
0x12: {  	_ =	swait.ge [sflag:s12], $0x1900  }
0x13: {  	[sflag:s12] =	ssyncset.done $0x0  }
0x14: {  	[sflag:s12] =	ssyncadd.s32 $0xFFFFE700  }
0x15: {  	[tilespmem:s4], [sflag:$0x3] =	stream.linear.gather [hbm4b:s7+s4], $0x2780, $0x38;
	[tilespmem:$0x1DF00] =	vst v63  }
0x16: {  	_ =	swait.ge [sflag:s12], $0x2780  }
0x17: {  	[sflag:s12] =	ssyncset.done $0x0  }
0x18: {  	[sflag:s12] =	ssyncadd.s32 $0xFFFFD880  }
0x19: {  	[tilespmem:s13], [sflag:$0x3] =	stream.linear.gather [hbm4b:s8+s4], $0x2780, $0x38;
	[tilespmem:$0x1DF00] =	vst v63  }
0x1a: {  	_ =	swait.ge [sflag:s12], $0x2780  }
0x1b: {  	[sflag:s12] =	ssyncset.done $0x0  }
0x1c: {  	[sflag:s12] =	ssyncadd.s32 $0xFFFFD880  }
0x1d: {  	[bflag:$0x0] =	sbarrier.arrive $0xFFFF  }
0x1e: {  	[tilespmem:s15], [sflag:$0x1] =	stream.indirect.gather [hbm4b:s2+s14], $0x50, s4, s14, $0xb8;
	[tilespmem:$0x1DF00] =	vst v63  }
0x1f: {  	_ = 	snop  }
0x20: {  	[tilespmem:s16], [sflag:$0x1] =	stream.indirect.gather [hbm4b:s2+s14], $0x50, s14, s14, $0xb8;
	[tilespmem:$0x1DF00] =	vst v63  }
0x21: {  	s23 =	simm.s32 $0x100  }
0x22: {  	[tilespmem:s18], [sflag:$0x1] =	stream.indirect.gather [hbm4b:s2+s14], $0x50, s23, s14, $0xb8;
	[tilespmem:$0x1DF00] =	vst v63  }
0x23: {  	_ =	swait.ge [sflag:s19], $0x2800  }
0x24: {  	[sflag:s19] =	ssyncset.done $0x0  }
0x25: {  	[sflag:s19] =	ssyncadd.s32 $0xFFFFD800  }
0x26: {  	[spmem:s3] =	stream.indirect.scatter.add.bf16 [tilespmem:s15], [sflag:$0x2], $0x50, s13, s14, $0xb8;
	[tilespmem:$0x1DF00] =	vst v63  }
0x27: {  	s24 =	simm.s32 $0x180;
	s26 =	simm.s32 $0x5  }
0x28: {  	[tilespmem:s21], [sflag:$0x1] =	stream.indirect.gather [hbm4b:s2+s14], $0x50, s24, s14, $0xb8;
	[tilespmem:$0x1DF00] =	vst v63  }
0x29: {  	s0 =	smul.u32 $0xCD, s26;
	_ =	swait.ge [sflag:s19], $0x2800  }
0x2a: {  	s1 =	simm.s32 $0x2800;
	[sflag:s19] =	ssyncset.done $0x0  }
0x2b: {  	s29 =	sadd.s32 $0xFFFFFD99, s0;
	s0 =	sshrl.u32 s0, $0xA;
	[sflag:s19] =	ssyncadd.s32 $0xFFFFD800  }
0x2c: {  	[spmem:s3] =	stream.indirect.scatter.add.bf16 [tilespmem:s16], [sflag:$0x2], $0x50, s1, s14, $0xb8;
	[tilespmem:$0x1DF00] =	vst v63  }
0x2d: {  	s5 =	simm.s32 $0x200;
	s0 =	sand.u32 $0x3F, s0;
	s1 =	sshrl.u32 s29, $0xA  }
0x2e: {  	s17 =	simm.s32 $0xEF00;
	s0 =	smul.u32 $0x5, s0;
	s1 =	sand.u32 $0x3F, s1  }
0x2f: {  	s20 =	simm.s32 $0x2880;
	s31 =	simm.s32 $0x300;
	s1 =	smul.u32 $0x5, s1  }
0x30: {  	[tilespmem:s17], [sflag:$0x1] =	stream.indirect.gather [hbm4b:s2+s14], $0x50, s5, s14, $0xb8;
	[tilespmem:$0x1DF00] =	vst v63  }
0x31: {  	s24 =	simm.s32 $0x7;
	s29 =	ssub.s32 $0x5, s0;
	s22 =	ssub.s32 $0x5, s1  }
0x32: {  	_ =	swait.ge [sflag:s25], $0x2800;
	s1 =	simm.s32 $0x6;
	s22 =	sadd.s32 $0xFFFFFFFD, s22  }
0x33: {  	[sflag:s25] =	ssyncset.done $0x0;
	s28 =	smul.u32 $0xCD, s1;
	s22 =	sand.u32 $0xFF, s22  }
0x34: {  	s0 =	simm.s32 $0x2900;
	[sflag:s25] =	ssyncadd.s32 $0xFFFFD800;
	s22 =	smul.u32 $0xA000, s22  }
0x35: {  	s17 =	simm.s32 $0x280;
	_ =	swait.ge [sflag:s19], $0x2800;
	s26 =	sadd.s32 $0xFFFFFD99, s28  }
0x36: {  	s23 =	sshrl.u32 s22, $0x2;
	s22 =	sshrl.u32 s28, $0xA;
	s28 =	sand.u32 $0xFF, s29  }
.LBB2_2:
0x37: {  	s26 =	sshrl.u32 s26, $0xA;
	s28 =	smul.u32 $0xA000, s28;
	[sflag:s19] =	ssyncset.done $0x0  }
0x38: {  	s29 =	smov.u32 s1;
	s1 =	smov.u32 s24;
	s5 =	sadd.s32 $0x1, s24  }
0x39: {  	s23 =	sadd.s32 $0x4F00, s23;
	s26 =	sand.u32 $0x3F, s26;
	[sflag:s19] =	ssyncadd.s32 $0xFFFFD800  }
0x3a: {  	p0 =	sne.s32 s24, $0x4E;
	s26 =	smul.u32 $0x5, s26;
	s28 =	sshrl.u32 s28, $0x2  }
0x3b: {  	[spmem:s3] =	stream.indirect.scatter.add.bf16 [tilespmem:s23], [sflag:$0x2], $0x50, s20, s14, $0xb8;
	[tilespmem:$0x1DF00] =	vst v63  }
0x3c: {  	s22 =	sand.u32 $0x3F, s22;
	s23 =	sadd.s32 $0x4F00, s28;
	s20 =	ssub.s32 s29, s26  }
0x3d: {  	[tilespmem:s23], [sflag:$0x1] =	stream.indirect.gather [hbm4b:s2+s14], $0x50, s17, s14, $0xb8;
	[tilespmem:$0x1DF00] =	vst v63  }
0x3e: {  	s22 =	smul.u32 $0x5, s22;
	s23 =	sadd.s32 $0xFFFFFFFD, s20  }
0x3f: {  	s17 =	smov.u32 s31;
	s20 =	smov.u32 s0;
	s23 =	sand.u32 $0xFF, s23  }
0x40: {  	s23 =	smul.u32 $0xA000, s23  }
.Ltmp0:
0x41: {  	_ =	swait.ge [sflag:s25], $0x2800;
	(pc) =	sbr.rel @p0 .LBB2_2-.Ltmp0, $4  }
0x42: {  	s24 =	smul.u32 $0xCD, s1;
	s31 =	sadd.s32 $0x80, s31;
	[sflag:s25] =	ssyncset.done $0x0  }
0x43: {  	s28 =	ssub.s32 s29, s22;
	s23 =	sshrl.u32 s23, $0x2;
	[sflag:s25] =	ssyncadd.s32 $0xFFFFD800  }
0x44: {  	s22 =	sshrl.u32 s24, $0xA;
	s0 =	sadd.s32 $0x80, s0;
	_ =	swait.ge [sflag:s19], $0x2800  }
0x45: {  	s26 =	sadd.s32 $0xFFFFFD99, s24;
	s28 =	sand.u32 $0xFF, s28;
	s24 =	smov.u32 s5  }
0x46: {  	s24 =	smul.u32 $0xA000, s28  }
0x47: {  	s5 =	sshrl.u32 s26, $0xA;
	[sflag:s19] =	ssyncset.done $0x0;
	s23 =	sadd.s32 $0x4F00, s23  }
0x48: {  	s5 =	sand.u32 $0x3F, s5;
	[sflag:s19] =	ssyncadd.s32 $0xFFFFD800;
	s24 =	sshrl.u32 s24, $0x2  }
0x49: {  	[spmem:s3] =	stream.indirect.scatter.add.bf16 [tilespmem:s23], [sflag:$0x2], $0x50, s20, s14, $0xb8;
	[tilespmem:$0x1DF00] =	vst v63  }
0x4a: {  	s5 =	smul.u32 $0x5, s5;
	s23 =	sand.u32 $0x3F, s22;
	s29 =	sadd.s32 $0x4F00, s24  }
0x4b: {  	[tilespmem:s29], [sflag:$0x1] =	stream.indirect.gather [hbm4b:s2+s14], $0x50, s17, s14, $0xb8;
	[tilespmem:$0x1DF00] =	vst v63  }
0x4c: {  	s5 =	ssub.s32 s1, s5;
	s17 =	smul.u32 $0x5, s23  }
0x4d: {  	s5 =	sadd.s32 $0xFFFFFFFD, s5;
	_ =	swait.ge [sflag:s25], $0x2800  }
0x4e: {  	s5 =	sand.u32 $0xFF, s5;
	[sflag:s25] =	ssyncset.done $0x0;
	s24 =	ssub.s32 s1, s17  }
0x4f: {  	s5 =	smul.u32 $0xA000, s5;
	[sflag:s25] =	ssyncadd.s32 $0xFFFFD800;
	s1 =	sand.u32 $0xFF, s24  }
0x50: {  	_ =	swait.ge [sflag:s19], $0x2800;
	s1 =	smul.u32 $0xA000, s1  }
0x51: {  	s5 =	sshrl.u32 s5, $0x2;
	[sflag:s19] =	ssyncset.done $0x0  }
0x52: {  	[sflag:s19] =	ssyncadd.s32 $0xFFFFD800;
	s1 =	sshrl.u32 s1, $0x2;
	s5 =	sadd.s32 $0x4F00, s5  }
0x53: {  	[spmem:s3] =	stream.indirect.scatter.add.bf16 [tilespmem:s5], [sflag:$0x2], $0x50, s0, s14, $0xb8;
	[tilespmem:$0x1DF00] =	vst v63  }
0x54: {  	s26 =	sadd.s32 $0x4F00, s1  }
0x55: {  	[tilespmem:s26], [sflag:$0x1] =	stream.indirect.gather [hbm4b:s2+s14], $0x50, s31, s14, $0xb8;
	[tilespmem:$0x1DF00] =	vst v63  }
0x56: {  	_ =	swait.ge [sflag:s25], $0x2800  }
0x57: {  	[sflag:s25] =	ssyncset.done $0x0  }
0x58: {  	[sflag:s25] =	ssyncadd.s32 $0xFFFFD800  }
0x59: {  	_ =	swait.ge [sflag:s19], $0x2800  }
0x5a: {  	[sflag:s19] =	ssyncset.done $0x0  }
0x5b: {  	s28 =	simm.s32 $0x4D80;
	[sflag:s19] =	ssyncadd.s32 $0xFFFFD800  }
0x5c: {  	[spmem:s3] =	stream.indirect.scatter.add.bf16 [tilespmem:s16], [sflag:$0x2], $0x50, s28, s14, $0xb8;
	[tilespmem:$0x1DF00] =	vst v63  }
0x5d: {  	_ =	swait.ge [sflag:s25], $0x2800  }
0x5e: {  	[sflag:s25] =	ssyncset.done $0x0  }
0x5f: {  	[sflag:s25] =	ssyncadd.s32 $0xFFFFD800  }
0x60: {  	_ =	swait.ge [sflag:s19], $0x2800  }
0x61: {  	[sflag:s19] =	ssyncset.done $0x0  }
0x62: {  	s29 =	simm.s32 $0x4E00;
	[sflag:s19] =	ssyncadd.s32 $0xFFFFD800  }
0x63: {  	[spmem:s3] =	stream.indirect.scatter.add.bf16 [tilespmem:s18], [sflag:$0x2], $0x50, s29, s14, $0xb8;
	[tilespmem:$0x1DF00] =	vst v63  }
0x64: {  	_ =	swait.ge [sflag:s25], $0x2800  }
0x65: {  	[sflag:s25] =	ssyncset.done $0x0  }
0x66: {  	[sflag:s25] =	ssyncadd.s32 $0xFFFFD800  }
0x67: {  	_ =	swait.ge [sflag:s19], $0x2800  }
0x68: {  	[sflag:s19] =	ssyncset.done $0x0  }
0x69: {  	s31 =	simm.s32 $0x4E80;
	[sflag:s19] =	ssyncadd.s32 $0xFFFFD800  }
0x6a: {  	[spmem:s3] =	stream.indirect.scatter.add.bf16 [tilespmem:s21], [sflag:$0x2], $0x50, s31, s14, $0xb8;
	[tilespmem:$0x1DF00] =	vst v63  }
0x6b: {  	_ =	swait.ge [sflag:s25], $0x2800  }
0x6c: {  	[sflag:s25] =	ssyncset.done $0x0  }
0x6d: {  	[sflag:s25] =	ssyncadd.s32 $0xFFFFD800  }
0x6e: {  	_ =	swait.ge [sflag:s25], $0x2800  }
0x6f: {  	s30 =	sadd.s32 $0x1, s30;
	[sflag:s25] =	ssyncset.done $0x0  }
0x70: {  	p0 =	sne.s32 s30, s10;
	[sflag:s25] =	ssyncadd.s32 $0xFFFFD800  }
.Ltmp1:
0x71: {  	[bflag:$0x0] =	sbarrier.arrive $0xFFFF;
	(pc) =	sbr.rel @p0 .LBB2_1-.Ltmp1, $4  }
0x72: {  	[hbm:s9], [sflag:s6] =	dma.local [spmem:s11], $0x1900  }
0x73: {  	_ =	swait.ge [sflag:s12], $0x1900  }
0x74: {  	[sflag:s12] =	ssyncset.done $0x0  }
0x75: {  	[sflag:s12] =	ssyncadd.s32 $0xFFFFE700  }
0x76: {  	_ =	sfence.sel $0x180000  }
0x77: {  	[bflag:$0x0] =	sbarrier.arrive $0xFFFF  }
0x78: {  	_ =	strace $0x90000047  }
0x79: {  	s0 =	stileid.u32;
	[bflag:$0x2] =	sbarrier.arrive $0xFFFF  }
0x7a: {  	p0 =	sne.s32 s0, $0x0;
	s0 =	rddreg [dreg:$0x3]  }
0x7b: {  	s0 =	sadd.s32 @!p0 $0x100000, s0  }
0x7c: {  	[sflag:s0] =	ssyncadd.tile.s32 @!p0 $0x1;
	_ =	shalt  }
.Lfunc_end2:
_tile_overlayer_lowered:
.L_overlay_start_2:
0x7d: {  	(tag) =	ssettag $0x2  }
0x7e: {  	s0 =	rddreg [dreg:$0x0];
	s2 =	stileid.u32  }
0x7f: {  	s1 =	rddreg [dreg:$0x1];
	p0 =	sne.s32 s2, $0x0  }
0x80: {  	s3 =	rddreg [dreg:$0x2];
	[bflag:$0x3] =	sbarrier.arrive $0xFFFF;
	s2 =	simm.s32 @!p0 $0x1C03  }
0x81: {  	[timem:s3], [sflag:s2] =	dma.local @!p0 [hbm:s0], s1  }
0x82: {  	s0 =	simm.s32 @!p0 $0x3  }
0x83: {  	_ =	swait.ge @!p0 [sflag:s0], s1  }
0x84: {  	s1 =	ssub.s32 @!p0 $0x0, s1;
	[sflag:s0] =	ssyncset.done @!p0 $0x0  }
0x85: {  	[sflag:s0] =	ssyncadd.s32 @!p0 s1  }
0x86: {  	[bflag:$0x3] =	sbarrier.arrive $0xFFFF  }
0x87: {  	_ =	shalt  }

</sc_bundles>
